<compile_context>
chip_gen: v7x
topology: tpu7x:2x2x1
jax: 0.10.2.dev20260603
libtpu: 0.0.44.dev20260713+nightly
codegen_flags: <defaults>
</compile_context>

<pallas_src>
import functools

import jax
import jax.numpy as jnp
from jax import lax
from jax.experimental import pallas as pl
from jax.experimental.pallas import tpu as pltpu
from jax.experimental.pallas import tpu_sc as plsc

N = 1_000_000
C = 10
NBINS = 15

CHUNK = 8192
NCHUNK = 41
PART = CHUNK * NCHUNK
NPAD = 3 * PART
PAD_VAL = 1.96875

B1 = 4096
SUB2 = 2048
NR = 30
NO_SLOT = 30


def _wid():
    return lax.axis_index("s") * 2 + lax.axis_index("c")


BLK = 2048


def _softmax_body(x_ref, o_ref):
    x = x_ref[...]
    m = jnp.max(x, axis=1, keepdims=True)
    e = jnp.exp(x - m)
    p = e / jnp.sum(e, axis=1, keepdims=True)
    col = pl.program_id(0) * BLK + lax.broadcasted_iota(jnp.int32, (C, BLK), 1)
    vals = jnp.where(col < N, p.T, PAD_VAL)
    o_ref[...] = lax.bitcast_convert_type(vals, jnp.int32)


def _softmax_t(logits):
    logits_p = jnp.pad(logits, ((0, NPAD - N), (0, 0)))
    return pl.pallas_call(
        _softmax_body,
        grid=(NPAD // BLK,),
        in_specs=[pl.BlockSpec((BLK, C), lambda i: (i, 0))],
        out_specs=pl.BlockSpec((C, BLK), lambda i: (0, i)),
        out_shape=jax.ShapeDtypeStruct((C, NPAD), jnp.int32),
    )(logits_p)


@functools.lru_cache(maxsize=1)
def _sc_kernels():
    mesh = plsc.VectorSubcoreMesh(core_axis_name="c", subcore_axis_name="s")

    @functools.partial(
        pl.kernel,
        out_type=jax.ShapeDtypeStruct((30, B1 * 16), jnp.int32),
        mesh=mesh,
        compiler_params=pltpu.CompilerParams(needs_layout_passes=False),
        scratch_types=[
            pltpu.VMEM((CHUNK,), jnp.int32),
            pltpu.VMEM((B1 * 16,), jnp.int32),
        ],
    )
    def sc_hist1(keys_hbm, out_hbm, buf, hist):
        wid = _wid()

        @pl.when(wid < 30)
        def _():
            cls = wid // 3
            col0 = (wid % 3) * PART
            lane = lax.iota(jnp.int32, 16)
            ones = jnp.ones((16,), jnp.int32)

            def zero_body(i, _):
                hist[pl.ds(i * 16, 16)] = jnp.zeros((16,), jnp.int32)
                return 0

            lax.fori_loop(0, B1, zero_body, 0)

            def chunk_body(k, _):
                pltpu.sync_copy(keys_hbm.at[cls, pl.ds(col0 + k * CHUNK, CHUNK)], buf)

                def vec_body(i, _):
                    key = buf[pl.ds(i * 16, 16)]
                    p = jnp.minimum(lax.shift_right_logical(key, 18), B1 - 1)
                    plsc.addupdate_scatter(hist, [p * 16 + lane], ones)
                    return 0

                lax.fori_loop(0, CHUNK // 16, vec_body, 0)
                return 0

            lax.fori_loop(0, NCHUNK, chunk_body, 0)
            pltpu.sync_copy(hist, out_hbm.at[wid])

    @functools.partial(
        pl.kernel,
        out_type=jax.ShapeDtypeStruct((30, NR * SUB2), jnp.int32),
        mesh=mesh,
        compiler_params=pltpu.CompilerParams(needs_layout_passes=False),
        scratch_types=[
            pltpu.VMEM((CHUNK,), jnp.int32),
            pltpu.VMEM((B1,), jnp.int32),
            pltpu.VMEM((NR * SUB2,), jnp.int32),
        ],
    )
    def sc_hist2(keys_hbm, tbl_hbm, out_hbm, buf, tbl, hist):
        wid = _wid()

        @pl.when(wid < 30)
        def _():
            cls = wid // 3
            col0 = (wid % 3) * PART
            ones = jnp.ones((16,), jnp.int32)
            pltpu.sync_copy(tbl_hbm.at[cls], tbl)

            def zero_body(i, _):
                hist[pl.ds(i * 16, 16)] = jnp.zeros((16,), jnp.int32)
                return 0

            lax.fori_loop(0, NR * SUB2 // 16, zero_body, 0)

            def chunk_body(k, _):
                pltpu.sync_copy(keys_hbm.at[cls, pl.ds(col0 + k * CHUNK, CHUNK)], buf)

                def vec_body(i, _):
                    key = buf[pl.ds(i * 16, 16)]
                    p = jnp.minimum(lax.shift_right_logical(key, 18), B1 - 1)
                    sl = plsc.load_gather(tbl, [p])
                    valid = sl < NO_SLOT
                    s2 = jnp.bitwise_and(lax.shift_right_logical(key, 7), SUB2 - 1)
                    idx = jnp.where(valid, sl * SUB2 + s2, 0)
                    plsc.addupdate_scatter(hist, [idx], ones, mask=valid)
                    return 0

                lax.fori_loop(0, CHUNK // 16, vec_body, 0)
                return 0

            lax.fori_loop(0, NCHUNK, chunk_body, 0)
            pltpu.sync_copy(hist, out_hbm.at[wid])

    @functools.partial(
        pl.kernel,
        out_type=jax.ShapeDtypeStruct((30, 1536), jnp.float32),
        mesh=mesh,
        compiler_params=pltpu.CompilerParams(needs_layout_passes=False),
        scratch_types=[
            pltpu.VMEM((CHUNK,), jnp.float32),
            pltpu.VMEM((CHUNK,), jnp.int32),
            pltpu.VMEM((16,), jnp.float32),
            pltpu.VMEM((1536,), jnp.float32),
        ],
    )
    def sc_bins(conf_hbm, lab_hbm, edges_hbm, out_hbm, bufc, bufl, ev, acc):
        wid = _wid()

        @pl.when(wid < 30)
        def _():
            cls = wid // 3
            col0 = (wid % 3) * PART
            lane = lax.iota(jnp.int32, 16)
            onesf = jnp.ones((16,), jnp.float32)
            pltpu.sync_copy(edges_hbm.at[cls], ev)
            e15v = plsc.load_gather(ev, [jnp.full((16,), 15, jnp.int32)])
            clsv = jnp.ones((16,), jnp.int32) * cls

            def zero_body(i, _):
                acc[pl.ds(i * 16, 16)] = jnp.zeros((16,), jnp.float32)
                return 0

            lax.fori_loop(0, 1536 // 16, zero_body, 0)

            def chunk_body(k, _):
                pltpu.sync_copy(conf_hbm.at[cls, pl.ds(col0 + k * CHUNK, CHUNK)], bufc)
                pltpu.sync_copy(lab_hbm.at[pl.ds(col0 + k * CHUNK, CHUNK)], bufl)

                def vec_body(i, _):
                    conf = bufc[pl.ds(i * 16, 16)]
                    labv = bufl[pl.ds(i * 16, 16)]
                    m = jnp.zeros((16,), jnp.int32)
                    for step in (8, 4, 2, 1):
                        cand = m + step
                        ec = plsc.load_gather(ev, [cand - 1])
                        m = jnp.where(ec < conf, cand, m)
                    labi = jnp.where(labv == clsv, 1, 0)
                    base = (m * 2 + labi) * 48 + lane
                    valid = conf <= e15v
                    plsc.addupdate_scatter(acc, [base], onesf, mask=valid)
                    plsc.addupdate_scatter(acc, [base + 16], conf, mask=valid)
                    plsc.addupdate_scatter(acc, [base + 32], conf * conf, mask=valid)
                    return 0

                lax.fori_loop(0, CHUNK // 16, vec_body, 0)
                return 0

            lax.fori_loop(0, NCHUNK, chunk_body, 0)
            pltpu.sync_copy(acc, out_hbm.at[wid])

    return sc_hist1, sc_hist2, sc_bins


def _locate(hist, rank):
    cum = jnp.cumsum(hist, axis=-1)
    mask = cum[..., None, :] <= rank[..., None]
    b = mask.sum(-1).astype(jnp.int32)
    before = (mask * hist[..., None, :]).sum(-1)
    return b, rank - before


def kernel(logits, labels):
    sc_hist1, sc_hist2, sc_bins = _sc_kernels()
    keysp = _softmax_t(logits)
    confp = lax.bitcast_convert_type(keysp, jnp.float32)
    labp = jnp.pad(labels.astype(jnp.int32), (0, NPAD - N))

    xq = jnp.linspace(0.0, float(N), NBINS + 1)
    kf = jnp.floor(xq[1:NBINS])
    kj = kf.astype(jnp.int32)
    frac = (xq[1:NBINS] - kf).astype(jnp.float32)
    ranks = jnp.concatenate([
        jnp.zeros((1,), jnp.int32),
        jnp.stack([kj, kj + 1], axis=1).reshape(-1),
        jnp.full((1,), N - 1, jnp.int32),
    ])

    h1 = sc_hist1(keysp)
    hist = h1.reshape(C, 3, B1, 16).sum((1, 3))
    rk = jnp.broadcast_to(ranks, (C, NR))
    b, lr1 = _locate(hist, rk)

    ii = jnp.arange(NR, dtype=jnp.int32)
    same = b[:, None, :] == b[:, :, None]
    slot = jnp.min(jnp.where(same, ii[None, None, :], NO_SLOT), axis=-1)
    slot = slot.astype(jnp.int32)
    pgrid = jnp.arange(B1, dtype=jnp.int32)
    tbl = jnp.min(
        jnp.where(b[:, :, None] == pgrid[None, None, :], ii[None, :, None], NO_SLOT),
        axis=1,
    ).astype(jnp.int32)

    h2 = sc_hist2(keysp, tbl)
    h2c = h2.reshape(C, 3, NR, SUB2).sum(1)
    hsel = jnp.take_along_axis(h2c, slot[:, :, None], axis=1)
    s2, lr2 = _locate(hsel, lr1[:, :, None])
    s2, lr2 = s2[..., 0], lr2[..., 0]

    cw = jnp.take_along_axis(hsel, s2[:, :, None], axis=-1)[..., 0]
    pos = jnp.clip(
        jnp.round(128.0 * (lr2.astype(jnp.float32) + 0.5)
                  / jnp.maximum(cw.astype(jnp.float32), 1.0)).astype(jnp.int32),
        0, 127)
    vkey = b * (1 << 18) + s2 * 128 + pos
    v = lax.bitcast_convert_type(vkey, jnp.float32)

    va = v[:, 1:29:2]
    vb = v[:, 2:30:2]
    emid = va + frac[None, :] * (vb - va)
    edges = jnp.concatenate([v[:, :1], emid, v[:, 29:30]], axis=1)

    st = sc_bins(confp, labp, edges)
    s = st.reshape(C, 3, 16, 2, 3, 16).sum((1, 5))
    s = s[:, 1:16]
    cnt0, cnt1 = s[..., 0, 0], s[..., 1, 0]
    sc0, sc1 = s[..., 0, 1], s[..., 1, 1]
    ss2 = s[..., 0, 2] + s[..., 1, 2]
    cnt = cnt0 + cnt1
    denom = jnp.maximum(cnt - 1.0, 1.0)
    a0 = cnt1 / denom
    a1 = (cnt1 - 1.0) / denom
    term = ss2 - 2.0 * (a0 * sc0 + a1 * sc1) + cnt0 * a0 * a0 + cnt1 * a1 * a1
    term = jnp.where(cnt >= 2.0, term, 0.0)
    return jnp.mean(term.sum(1)) / N

# --- scband reference (transcript-rebuilt; emitter-appended) ---
"""Pipeline reference for scband-ece-26422638805243 (READ-ONLY COPY).

The authoritative reference and input builder live on the scoring server;
editing this copy changes nothing except your own understanding.
"""

import jax, jax.numpy as jnp
import numpy as np

P = 2
N_BINS = 15


def setup_inputs(seed: int = 0) -> dict:
    key = jax.random.key(seed)
    k1, k2 = jax.random.split(key)
    logits = jax.random.normal(k1, (1000000, 10), dtype=jnp.float32)
    labels = jax.random.randint(k2, (1000000,), 0, 10, dtype=jnp.int32)
    return {"logits": logits, "labels": labels}


def _class_ece(conf, lab_bool):
    # adaptive equal-count bin edges: np.interp over sorted confidences
    N = conf.shape[0]
    sorted_c = jnp.sort(conf)
    xq = jnp.linspace(0.0, float(N), N_BINS + 1)
    xp = jnp.arange(N, dtype=jnp.float32)
    edges = jnp.interp(xq, xp, sorted_c)
    lab_f = lab_bool.astype(jnp.float32)
    tmp = jnp.zeros((), dtype=jnp.float32)
    for j in range(N_BINS):
        lo = edges[j]
        hi = edges[j + 1]
        in_bin = (conf > lo) & (conf <= hi)
        cnt = jnp.sum(in_bin)
        s = jnp.sum(jnp.where(in_bin, lab_f, 0.0))
        denom = jnp.maximum(cnt - 1, 1).astype(jnp.float32)
        cond_expects = (s - lab_f) / denom
        term = jnp.where(in_bin, jnp.abs(conf - cond_expects) ** P, 0.0)
        tmp = tmp + jnp.where(cnt > 1, jnp.sum(term), 0.0)
    return tmp / N


def reference(logits, labels):
    # classwise 'our' version ECE with adaptive bins
    softmaxes = jax.nn.softmax(logits, axis=1)
    num_classes = softmaxes.shape[1]
    per_class = []
    for i in range(num_classes):
        conf = softmaxes[:, i]
        lab_in_class = (labels == i)
        per_class.append(_class_ece(conf, lab_in_class))
    return jnp.mean(jnp.stack(per_class))

if __name__ == "__main__":
    import jax
    _d = setup_inputs()
    print(jax.jit(kernel)(*tuple(_d.values())))

</pallas_src>

<mosaic_0001>
#map = affine_map<(d0, d1) -> (0, 0)>
module attributes {stable_mosaic.version = 14 : i64} {
  func.func @sc_hist2(%arg0: i32, %arg1: i32, %arg2: memref<10x1007616xi32, #tpu.memory_space<hbm>>, %arg3: memref<10x4096xi32, #tpu.memory_space<hbm>>, %arg4: memref<30x61440xi32, #tpu.memory_space<hbm>>, %arg5: memref<8192xi32, #tpu.memory_space<vmem>>, %arg6: memref<4096xi32, #tpu.memory_space<vmem>>, %arg7: memref<61440xi32, #tpu.memory_space<vmem>>) attributes {dimension_semantics = [#tpu.dimension_semantics<core_parallel>, #tpu.dimension_semantics<subcore_parallel>], iteration_bounds = array<i64: 2, 16>, scalar_prefetch = 0 : i64, scratch_operands = 3 : i64, tpu.core_type = #tpu.core_type<sc_vector_subcore>, window_params = [{transform_indices = #map}, {transform_indices = #map}, {transform_indices = #map}]} {
    %mul3A = arith.constant 2 : i32
    %mul3A_0 = arith.muli %arg1, %mul3A : i32
    %add3A = arith.addi %mul3A_0, %arg0 : i32
    %lt3A = arith.constant 30 : i32
    %lt3A_1 = arith.cmpi slt, %add3A, %lt3A : i32
    %convert_element_type3A = arith.extui %lt3A_1 : i1 to i32
    %cond3A = arith.constant 0 : i32
    %cond3A_2 = arith.cmpi ne, %convert_element_type3A, %cond3A : i32
    scf.if %cond3A_2 {
      %jit3A = arith.constant 3 : i32
      %div3A = arith.divsi %add3A, %jit3A : i32
      %sign3A = arith.constant 0 : i32
      %sign3A_3 = arith.cmpi sgt, %add3A, %sign3A : i32
      %sign3A_4 = arith.extui %sign3A_3 : i1 to i32
      %sign3A_5 = arith.constant 0 : i32
      %sign3A_6 = arith.cmpi slt, %add3A, %sign3A_5 : i32
      %sign3A_7 = arith.extui %sign3A_6 : i1 to i32
      %sign3A_8 = arith.subi %sign3A_4, %sign3A_7 : i32
      %sign3A_9 = arith.constant 0 : i32
      %sign3A_10 = arith.cmpi sgt, %jit3A, %sign3A_9 : i32
      %sign3A_11 = arith.extui %sign3A_10 : i1 to i32
      %sign3A_12 = arith.constant 0 : i32
      %sign3A_13 = arith.cmpi slt, %jit3A, %sign3A_12 : i32
      %sign3A_14 = arith.extui %sign3A_13 : i1 to i32
      %sign3A_15 = arith.subi %sign3A_11, %sign3A_14 : i32
      %ne3A = arith.cmpi ne, %sign3A_8, %sign3A_15 : i32
      %rem3A = arith.remsi %add3A, %jit3A : i32
      %ne3A_16 = arith.constant 0 : i32
      %ne3A_17 = arith.cmpi ne, %rem3A, %ne3A_16 : i32
      %and3A = arith.andi %ne3A, %ne3A_17 : i1
      %sub3A = arith.constant 1 : i32
      %sub3A_18 = arith.subi %div3A, %sub3A : i32
      %select_n3A = arith.select %and3A, %sub3A_18, %div3A : i32
      %jit3A_19 = arith.constant 3 : i32
      %eq3A = arith.constant 0 : i32
      %eq3A_20 = arith.cmpi eq, %jit3A_19, %eq3A : i32
      %jit3A_21 = arith.constant 1 : i32
      %select_n3A_22 = arith.select %eq3A_20, %jit3A_21, %jit3A_19 : i32
      %rem3A_23 = arith.remsi %add3A, %select_n3A_22 : i32
      %ne3A_24 = arith.constant 0 : i32
      %ne3A_25 = arith.cmpi ne, %rem3A_23, %ne3A_24 : i32
      %lt3A_26 = arith.constant 0 : i32
      %lt3A_27 = arith.cmpi slt, %rem3A_23, %lt3A_26 : i32
      %lt3A_28 = arith.constant 0 : i32
      %lt3A_29 = arith.cmpi slt, %select_n3A_22, %lt3A_28 : i32
      %ne3A_30 = arith.xori %lt3A_27, %lt3A_29 : i1
      %and3A_31 = arith.andi %ne3A_30, %ne3A_25 : i1
      %add3A_32 = arith.addi %rem3A_23, %select_n3A_22 : i32
      %select_n3A_33 = arith.select %and3A_31, %add3A_32, %rem3A_23 : i32
      %mul3A_34 = arith.constant 335872 : i32
      %mul3A_35 = arith.muli %select_n3A_33, %mul3A_34 : i32
      %broadcast_in_dim3A = arith.constant 1 : i32
      %broadcast_in_dim3A_36 = vector.broadcast %broadcast_in_dim3A : i32 to vector<16xi32>
      "tpu.region"() ({
        %run_scoped3A = tpu.sem_alloc : memref<!tpu.dma_semaphore, #tpu.memory_space<semaphore_mem>>
        %dma_start3A = arith.constant 0 : i32
        %dma_start3A_50 = tpu.memref_slice %arg3[%select_n3A, %dma_start3A] : memref<10x4096xi32, #tpu.memory_space<hbm>> -> memref<1x4096xi32, #tpu.memory_space<hbm>>
        %dma_start3A_51 = tpu.memref_squeeze %dma_start3A_50 : memref<1x4096xi32, #tpu.memory_space<hbm>> -> memref<4096xi32, #tpu.memory_space<hbm>>
        %dma_start3A_52 = arith.constant 0 : i32
        %dma_start3A_53 = tpu.memref_slice %arg3[%select_n3A, %dma_start3A_52] : memref<10x4096xi32, #tpu.memory_space<hbm>> -> memref<1x4096xi32, #tpu.memory_space<hbm>>
        %dma_start3A_54 = tpu.memref_squeeze %dma_start3A_53 : memref<1x4096xi32, #tpu.memory_space<hbm>> -> memref<4096xi32, #tpu.memory_space<hbm>>
        tpu.enqueue_dma source(%dma_start3A_54 : memref<4096xi32, #tpu.memory_space<hbm>>) target(%arg6 : memref<4096xi32, #tpu.memory_space<vmem>>) target_semaphore(%run_scoped3A : memref<!tpu.dma_semaphore, #tpu.memory_space<semaphore_mem>>)
        %dma_wait3A = arith.constant 0 : i32
        %dma_wait3A_55 = tpu.memref_slice %arg3[%select_n3A, %dma_wait3A] : memref<10x4096xi32, #tpu.memory_space<hbm>> -> memref<1x4096xi32, #tpu.memory_space<hbm>>
        %dma_wait3A_56 = tpu.memref_squeeze %dma_wait3A_55 : memref<1x4096xi32, #tpu.memory_space<hbm>> -> memref<4096xi32, #tpu.memory_space<hbm>>
        %dma_wait3A_57 = arith.constant 0 : i32
        %dma_wait3A_58 = tpu.memref_slice %arg3[%select_n3A, %dma_wait3A_57] : memref<10x4096xi32, #tpu.memory_space<hbm>> -> memref<1x4096xi32, #tpu.memory_space<hbm>>
        %dma_wait3A_59 = tpu.memref_squeeze %dma_wait3A_58 : memref<1x4096xi32, #tpu.memory_space<hbm>> -> memref<4096xi32, #tpu.memory_space<hbm>>
        tpu.wait_dma2 semaphore(%run_scoped3A : memref<!tpu.dma_semaphore, #tpu.memory_space<semaphore_mem>>) src(%dma_wait3A_59 : memref<4096xi32, #tpu.memory_space<hbm>>) dst(%arg6 : memref<4096xi32, #tpu.memory_space<vmem>>)
        tpu.yield
      }) : () -> ()
      %scan3A = arith.constant 0 : i32
      %scan3A_37 = arith.constant 0 : i32
      %scan3A_38 = arith.constant 3840 : i32
      %scan3A_39 = arith.addi %scan3A_37, %scan3A_38 : i32
      %scan3A_40 = arith.constant 1 : i32
      %scan3A_41 = scf.for %scan3A_50 = %scan3A_37 to %scan3A_39 step %scan3A_40 iter_args(%scan3A_51 = %scan3A) -> (i32)  : i32 {
        %broadcast_in_dim3A_52 = arith.constant 0 : i32
        %broadcast_in_dim3A_53 = vector.broadcast %broadcast_in_dim3A_52 : i32 to vector<16xi32>
        %mul3A_54 = arith.constant 16 : i32
        %mul3A_55 = arith.muli %scan3A_50, %mul3A_54 : i32
        %swap3A = arith.index_cast %mul3A_55 : i32 to index
        %swap3A_56 = tpu.vector_load %arg7[%swap3A] {strides = array<i32>} : memref<61440xi32, #tpu.memory_space<vmem>>, vector<16xi32>,
        tpu.vector_store %arg7[%swap3A], %broadcast_in_dim3A_53 {strides = array<i32>} : memref<61440xi32, #tpu.memory_space<vmem>>, vector<16xi32>,
        %scan3A_57 = arith.constant 0 : i32
        scf.yield %scan3A_57 : i32
      }
      %scan3A_42 = arith.constant 3840 : i32
      %scan3A_43 = arith.constant 0 : i32
      %scan3A_44 = arith.constant 0 : i32
      %scan3A_45 = arith.constant 41 : i32
      %scan3A_46 = arith.addi %scan3A_44, %scan3A_45 : i32
      %scan3A_47 = arith.constant 1 : i32
      %scan3A_48 = scf.for %scan3A_50 = %scan3A_44 to %scan3A_46 step %scan3A_47 iter_args(%scan3A_51 = %scan3A_43) -> (i32)  : i32 {
        %mul3A_52 = arith.constant 8192 : i32
        %mul3A_53 = arith.muli %scan3A_50, %mul3A_52 : i32
        %add3A_54 = arith.addi %mul3A_35, %mul3A_53 : i32
        "tpu.region"() ({
          %run_scoped3A = tpu.sem_alloc : memref<!tpu.dma_semaphore, #tpu.memory_space<semaphore_mem>>
          %dma_start3A = tpu.memref_slice %arg2[%select_n3A, %add3A_54] : memref<10x1007616xi32, #tpu.memory_space<hbm>> -> memref<1x8192xi32, #tpu.memory_space<hbm>>
          %dma_start3A_63 = tpu.memref_squeeze %dma_start3A : memref<1x8192xi32, #tpu.memory_space<hbm>> -> memref<8192xi32, #tpu.memory_space<hbm>>
          %dma_start3A_64 = tpu.memref_slice %arg2[%select_n3A, %add3A_54] : memref<10x1007616xi32, #tpu.memory_space<hbm>> -> memref<1x8192xi32, #tpu.memory_space<hbm>>
          %dma_start3A_65 = tpu.memref_squeeze %dma_start3A_64 : memref<1x8192xi32, #tpu.memory_space<hbm>> -> memref<8192xi32, #tpu.memory_space<hbm>>
          tpu.enqueue_dma source(%dma_start3A_65 : memref<8192xi32, #tpu.memory_space<hbm>>) target(%arg5 : memref<8192xi32, #tpu.memory_space<vmem>>) target_semaphore(%run_scoped3A : memref<!tpu.dma_semaphore, #tpu.memory_space<semaphore_mem>>)
          %dma_wait3A = tpu.memref_slice %arg2[%select_n3A, %add3A_54] : memref<10x1007616xi32, #tpu.memory_space<hbm>> -> memref<1x8192xi32, #tpu.memory_space<hbm>>
          %dma_wait3A_66 = tpu.memref_squeeze %dma_wait3A : memref<1x8192xi32, #tpu.memory_space<hbm>> -> memref<8192xi32, #tpu.memory_space<hbm>>
          %dma_wait3A_67 = tpu.memref_slice %arg2[%select_n3A, %add3A_54] : memref<10x1007616xi32, #tpu.memory_space<hbm>> -> memref<1x8192xi32, #tpu.memory_space<hbm>>
          %dma_wait3A_68 = tpu.memref_squeeze %dma_wait3A_67 : memref<1x8192xi32, #tpu.memory_space<hbm>> -> memref<8192xi32, #tpu.memory_space<hbm>>
          tpu.wait_dma2 semaphore(%run_scoped3A : memref<!tpu.dma_semaphore, #tpu.memory_space<semaphore_mem>>) src(%dma_wait3A_68 : memref<8192xi32, #tpu.memory_space<hbm>>) dst(%arg5 : memref<8192xi32, #tpu.memory_space<vmem>>)
          tpu.yield
        }) : () -> ()
        %scan3A_55 = arith.constant 0 : i32
        %scan3A_56 = arith.constant 0 : i32
        %scan3A_57 = arith.constant 512 : i32
        %scan3A_58 = arith.addi %scan3A_56, %scan3A_57 : i32
        %scan3A_59 = arith.constant 1 : i32
        %scan3A_60 = scf.for %scan3A_63 = %scan3A_56 to %scan3A_58 step %scan3A_59 iter_args(%scan3A_64 = %scan3A_55) -> (i32)  : i32 {
          %mul3A_65 = arith.constant 16 : i32
          %mul3A_66 = arith.muli %scan3A_63, %mul3A_65 : i32
          %get3A = arith.index_cast %mul3A_66 : i32 to index
          %get3A_67 = tpu.vector_load %arg5[%get3A] {strides = array<i32>} : memref<8192xi32, #tpu.memory_space<vmem>>, vector<16xi32>,
          %shift_right_logical3A = arith.constant 18 : i32
          %shift_right_logical3A_68 = vector.broadcast %shift_right_logical3A : i32 to vector<16xi32>
          %shift_right_logical3A_69 = arith.shrui %get3A_67, %shift_right_logical3A_68 : vector<16xi32>
          %min3A = arith.constant 4095 : i32
          %min3A_70 = vector.broadcast %min3A : i32 to vector<16xi32>
          %min3A_71 = arith.minsi %shift_right_logical3A_69, %min3A_70 : vector<16xi32>
          %gather3A = tpu.vector_load_idx %arg6[%min3A_71] : memref<4096xi32, #tpu.memory_space<vmem>>[vector<16xi32>], vector<16xi32>,
          %lt3A_72 = arith.constant 30 : i32
          %lt3A_73 = vector.broadcast %lt3A_72 : i32 to vector<16xi32>
          %lt3A_74 = arith.cmpi slt, %gather3A, %lt3A_73 : vector<16xi32>
          %shift_right_logical3A_75 = arith.constant 7 : i32
          %shift_right_logical3A_76 = vector.broadcast %shift_right_logical3A_75 : i32 to vector<16xi32>
          %shift_right_logical3A_77 = arith.shrui %get3A_67, %shift_right_logical3A_76 : vector<16xi32>
          %and3A_78 = arith.constant 2047 : i32
          %and3A_79 = vector.broadcast %and3A_78 : i32 to vector<16xi32>
          %and3A_80 = arith.andi %shift_right_logical3A_77, %and3A_79 : vector<16xi32>
          %mul3A_81 = arith.constant 2048 : i32
          %mul3A_82 = vector.broadcast %mul3A_81 : i32 to vector<16xi32>
          %mul3A_83 = arith.muli %gather3A, %mul3A_82 : vector<16xi32>
          %add3A_84 = arith.addi %mul3A_83, %and3A_80 : vector<16xi32>
          %jit3A_85 = arith.constant 0 : i32
          %broadcast_in_dim3A_86 = vector.broadcast %jit3A_85 : i32 to vector<16xi32>
          %select_n3A_87 = arith.select %lt3A_74, %add3A_84, %broadcast_in_dim3A_86 : vector<16xi1>, vector<16xi32>
          tpu.vector_store_idx %arg7[%select_n3A_87], %broadcast_in_dim3A_36 masked %lt3A_74 {add = true} : memref<61440xi32, #tpu.memory_space<vmem>>[vector<16xi32>], vector<16xi32>, vector<16xi1>
          %scan3A_88 = arith.constant 0 : i32
          scf.yield %scan3A_88 : i32
        }
        %scan3A_61 = arith.constant 512 : i32
        %scan3A_62 = arith.constant 0 : i32
        scf.yield %scan3A_62 : i32
      }
      %scan3A_49 = arith.constant 41 : i32
      "tpu.region"() ({
        %run_scoped3A = tpu.sem_alloc : memref<!tpu.dma_semaphore, #tpu.memory_space<semaphore_mem>>
        %dma_start3A = arith.constant 0 : i32
        %dma_start3A_50 = tpu.memref_slice %arg4[%add3A, %dma_start3A] : memref<30x61440xi32, #tpu.memory_space<hbm>> -> memref<1x61440xi32, #tpu.memory_space<hbm>>
        %dma_start3A_51 = tpu.memref_squeeze %dma_start3A_50 : memref<1x61440xi32, #tpu.memory_space<hbm>> -> memref<61440xi32, #tpu.memory_space<hbm>>
        %dma_start3A_52 = arith.constant 0 : i32
        %dma_start3A_53 = tpu.memref_slice %arg4[%add3A, %dma_start3A_52] : memref<30x61440xi32, #tpu.memory_space<hbm>> -> memref<1x61440xi32, #tpu.memory_space<hbm>>
        %dma_start3A_54 = tpu.memref_squeeze %dma_start3A_53 : memref<1x61440xi32, #tpu.memory_space<hbm>> -> memref<61440xi32, #tpu.memory_space<hbm>>
        tpu.enqueue_dma source(%arg7 : memref<61440xi32, #tpu.memory_space<vmem>>) target(%dma_start3A_54 : memref<61440xi32, #tpu.memory_space<hbm>>) target_semaphore(%run_scoped3A : memref<!tpu.dma_semaphore, #tpu.memory_space<semaphore_mem>>)
        %dma_wait3A = arith.constant 0 : i32
        %dma_wait3A_55 = tpu.memref_slice %arg4[%add3A, %dma_wait3A] : memref<30x61440xi32, #tpu.memory_space<hbm>> -> memref<1x61440xi32, #tpu.memory_space<hbm>>
        %dma_wait3A_56 = tpu.memref_squeeze %dma_wait3A_55 : memref<1x61440xi32, #tpu.memory_space<hbm>> -> memref<61440xi32, #tpu.memory_space<hbm>>
        %dma_wait3A_57 = arith.constant 0 : i32
        %dma_wait3A_58 = tpu.memref_slice %arg4[%add3A, %dma_wait3A_57] : memref<30x61440xi32, #tpu.memory_space<hbm>> -> memref<1x61440xi32, #tpu.memory_space<hbm>>
        %dma_wait3A_59 = tpu.memref_squeeze %dma_wait3A_58 : memref<1x61440xi32, #tpu.memory_space<hbm>> -> memref<61440xi32, #tpu.memory_space<hbm>>
        tpu.wait_dma2 semaphore(%run_scoped3A : memref<!tpu.dma_semaphore, #tpu.memory_space<semaphore_mem>>) src(%arg7 : memref<61440xi32, #tpu.memory_space<vmem>>) dst(%dma_wait3A_59 : memref<61440xi32, #tpu.memory_space<hbm>>)
        tpu.yield
      }) : () -> ()
    } else {
    }
    return
  }
}

#map = affine_map<(d0, d1) -> (0, 0)>
module attributes {stable_mosaic.version = 14 : i64} {
  func.func @sc_hist1(%arg0: i32, %arg1: i32, %arg2: memref<10x1007616xi32, #tpu.memory_space<hbm>>, %arg3: memref<30x65536xi32, #tpu.memory_space<hbm>>, %arg4: memref<8192xi32, #tpu.memory_space<vmem>>, %arg5: memref<65536xi32, #tpu.memory_space<vmem>>) attributes {dimension_semantics = [#tpu.dimension_semantics<core_parallel>, #tpu.dimension_semantics<subcore_parallel>], iteration_bounds = array<i64: 2, 16>, scalar_prefetch = 0 : i64, scratch_operands = 2 : i64, tpu.core_type = #tpu.core_type<sc_vector_subcore>, window_params = [{transform_indices = #map}, {transform_indices = #map}]} {
    %mul3A = arith.constant 2 : i32
    %mul3A_0 = arith.muli %arg1, %mul3A : i32
    %add3A = arith.addi %mul3A_0, %arg0 : i32
    %lt3A = arith.constant 30 : i32
    %lt3A_1 = arith.cmpi slt, %add3A, %lt3A : i32
    %convert_element_type3A = arith.extui %lt3A_1 : i1 to i32
    %cond3A = arith.constant 0 : i32
    %cond3A_2 = arith.cmpi ne, %convert_element_type3A, %cond3A : i32
    scf.if %cond3A_2 {
      %jit3A = arith.constant 3 : i32
      %div3A = arith.divsi %add3A, %jit3A : i32
      %sign3A = arith.constant 0 : i32
      %sign3A_3 = arith.cmpi sgt, %add3A, %sign3A : i32
      %sign3A_4 = arith.extui %sign3A_3 : i1 to i32
      %sign3A_5 = arith.constant 0 : i32
      %sign3A_6 = arith.cmpi slt, %add3A, %sign3A_5 : i32
      %sign3A_7 = arith.extui %sign3A_6 : i1 to i32
      %sign3A_8 = arith.subi %sign3A_4, %sign3A_7 : i32
      %sign3A_9 = arith.constant 0 : i32
      %sign3A_10 = arith.cmpi sgt, %jit3A, %sign3A_9 : i32
      %sign3A_11 = arith.extui %sign3A_10 : i1 to i32
      %sign3A_12 = arith.constant 0 : i32
      %sign3A_13 = arith.cmpi slt, %jit3A, %sign3A_12 : i32
      %sign3A_14 = arith.extui %sign3A_13 : i1 to i32
      %sign3A_15 = arith.subi %sign3A_11, %sign3A_14 : i32
      %ne3A = arith.cmpi ne, %sign3A_8, %sign3A_15 : i32
      %rem3A = arith.remsi %add3A, %jit3A : i32
      %ne3A_16 = arith.constant 0 : i32
      %ne3A_17 = arith.cmpi ne, %rem3A, %ne3A_16 : i32
      %and3A = arith.andi %ne3A, %ne3A_17 : i1
      %sub3A = arith.constant 1 : i32
      %sub3A_18 = arith.subi %div3A, %sub3A : i32
      %select_n3A = arith.select %and3A, %sub3A_18, %div3A : i32
      %jit3A_19 = arith.constant 3 : i32
      %eq3A = arith.constant 0 : i32
      %eq3A_20 = arith.cmpi eq, %jit3A_19, %eq3A : i32
      %jit3A_21 = arith.constant 1 : i32
      %select_n3A_22 = arith.select %eq3A_20, %jit3A_21, %jit3A_19 : i32
      %rem3A_23 = arith.remsi %add3A, %select_n3A_22 : i32
      %ne3A_24 = arith.constant 0 : i32
      %ne3A_25 = arith.cmpi ne, %rem3A_23, %ne3A_24 : i32
      %lt3A_26 = arith.constant 0 : i32
      %lt3A_27 = arith.cmpi slt, %rem3A_23, %lt3A_26 : i32
      %lt3A_28 = arith.constant 0 : i32
      %lt3A_29 = arith.cmpi slt, %select_n3A_22, %lt3A_28 : i32
      %ne3A_30 = arith.xori %lt3A_27, %lt3A_29 : i1
      %and3A_31 = arith.andi %ne3A_30, %ne3A_25 : i1
      %add3A_32 = arith.addi %rem3A_23, %select_n3A_22 : i32
      %select_n3A_33 = arith.select %and3A_31, %add3A_32, %rem3A_23 : i32
      %mul3A_34 = arith.constant 335872 : i32
      %mul3A_35 = arith.muli %select_n3A_33, %mul3A_34 : i32
      %iota3A = tpu.iota {dimensions = array<i32: 0>} : vector<16xi32>
      %broadcast_in_dim3A = arith.constant 1 : i32
      %broadcast_in_dim3A_36 = vector.broadcast %broadcast_in_dim3A : i32 to vector<16xi32>
      %scan3A = arith.constant 0 : i32
      %scan3A_37 = arith.constant 0 : i32
      %scan3A_38 = arith.constant 4096 : i32
      %scan3A_39 = arith.addi %scan3A_37, %scan3A_38 : i32
      %scan3A_40 = arith.constant 1 : i32
      %scan3A_41 = scf.for %scan3A_50 = %scan3A_37 to %scan3A_39 step %scan3A_40 iter_args(%scan3A_51 = %scan3A) -> (i32)  : i32 {
        %broadcast_in_dim3A_52 = arith.constant 0 : i32
        %broadcast_in_dim3A_53 = vector.broadcast %broadcast_in_dim3A_52 : i32 to vector<16xi32>
        %mul3A_54 = arith.constant 16 : i32
        %mul3A_55 = arith.muli %scan3A_50, %mul3A_54 : i32
        %swap3A = arith.index_cast %mul3A_55 : i32 to index
        %swap3A_56 = tpu.vector_load %arg5[%swap3A] {strides = array<i32>} : memref<65536xi32, #tpu.memory_space<vmem>>, vector<16xi32>,
        tpu.vector_store %arg5[%swap3A], %broadcast_in_dim3A_53 {strides = array<i32>} : memref<65536xi32, #tpu.memory_space<vmem>>, vector<16xi32>,
        %scan3A_57 = arith.constant 0 : i32
        scf.yield %scan3A_57 : i32
      }
      %scan3A_42 = arith.constant 4096 : i32
      %scan3A_43 = arith.constant 0 : i32
      %scan3A_44 = arith.constant 0 : i32
      %scan3A_45 = arith.constant 41 : i32
      %scan3A_46 = arith.addi %scan3A_44, %scan3A_45 : i32
      %scan3A_47 = arith.constant 1 : i32
      %scan3A_48 = scf.for %scan3A_50 = %scan3A_44 to %scan3A_46 step %scan3A_47 iter_args(%scan3A_51 = %scan3A_43) -> (i32)  : i32 {
        %mul3A_52 = arith.constant 8192 : i32
        %mul3A_53 = arith.muli %scan3A_50, %mul3A_52 : i32
        %add3A_54 = arith.addi %mul3A_35, %mul3A_53 : i32
        "tpu.region"() ({
          %run_scoped3A = tpu.sem_alloc : memref<!tpu.dma_semaphore, #tpu.memory_space<semaphore_mem>>
          %dma_start3A = tpu.memref_slice %arg2[%select_n3A, %add3A_54] : memref<10x1007616xi32, #tpu.memory_space<hbm>> -> memref<1x8192xi32, #tpu.memory_space<hbm>>
          %dma_start3A_63 = tpu.memref_squeeze %dma_start3A : memref<1x8192xi32, #tpu.memory_space<hbm>> -> memref<8192xi32, #tpu.memory_space<hbm>>
          %dma_start3A_64 = tpu.memref_slice %arg2[%select_n3A, %add3A_54] : memref<10x1007616xi32, #tpu.memory_space<hbm>> -> memref<1x8192xi32, #tpu.memory_space<hbm>>
          %dma_start3A_65 = tpu.memref_squeeze %dma_start3A_64 : memref<1x8192xi32, #tpu.memory_space<hbm>> -> memref<8192xi32, #tpu.memory_space<hbm>>
          tpu.enqueue_dma source(%dma_start3A_65 : memref<8192xi32, #tpu.memory_space<hbm>>) target(%arg4 : memref<8192xi32, #tpu.memory_space<vmem>>) target_semaphore(%run_scoped3A : memref<!tpu.dma_semaphore, #tpu.memory_space<semaphore_mem>>)
          %dma_wait3A = tpu.memref_slice %arg2[%select_n3A, %add3A_54] : memref<10x1007616xi32, #tpu.memory_space<hbm>> -> memref<1x8192xi32, #tpu.memory_space<hbm>>
          %dma_wait3A_66 = tpu.memref_squeeze %dma_wait3A : memref<1x8192xi32, #tpu.memory_space<hbm>> -> memref<8192xi32, #tpu.memory_space<hbm>>
          %dma_wait3A_67 = tpu.memref_slice %arg2[%select_n3A, %add3A_54] : memref<10x1007616xi32, #tpu.memory_space<hbm>> -> memref<1x8192xi32, #tpu.memory_space<hbm>>
          %dma_wait3A_68 = tpu.memref_squeeze %dma_wait3A_67 : memref<1x8192xi32, #tpu.memory_space<hbm>> -> memref<8192xi32, #tpu.memory_space<hbm>>
          tpu.wait_dma2 semaphore(%run_scoped3A : memref<!tpu.dma_semaphore, #tpu.memory_space<semaphore_mem>>) src(%dma_wait3A_68 : memref<8192xi32, #tpu.memory_space<hbm>>) dst(%arg4 : memref<8192xi32, #tpu.memory_space<vmem>>)
          tpu.yield
        }) : () -> ()
        %scan3A_55 = arith.constant 0 : i32
        %scan3A_56 = arith.constant 0 : i32
        %scan3A_57 = arith.constant 512 : i32
        %scan3A_58 = arith.addi %scan3A_56, %scan3A_57 : i32
        %scan3A_59 = arith.constant 1 : i32
        %scan3A_60 = scf.for %scan3A_63 = %scan3A_56 to %scan3A_58 step %scan3A_59 iter_args(%scan3A_64 = %scan3A_55) -> (i32)  : i32 {
          %mul3A_65 = arith.constant 16 : i32
          %mul3A_66 = arith.muli %scan3A_63, %mul3A_65 : i32
          %get3A = arith.index_cast %mul3A_66 : i32 to index
          %get3A_67 = tpu.vector_load %arg4[%get3A] {strides = array<i32>} : memref<8192xi32, #tpu.memory_space<vmem>>, vector<16xi32>,
          %shift_right_logical3A = arith.constant 18 : i32
          %shift_right_logical3A_68 = vector.broadcast %shift_right_logical3A : i32 to vector<16xi32>
          %shift_right_logical3A_69 = arith.shrui %get3A_67, %shift_right_logical3A_68 : vector<16xi32>
          %min3A = arith.constant 4095 : i32
          %min3A_70 = vector.broadcast %min3A : i32 to vector<16xi32>
          %min3A_71 = arith.minsi %shift_right_logical3A_69, %min3A_70 : vector<16xi32>
          %mul3A_72 = arith.constant 16 : i32
          %mul3A_73 = vector.broadcast %mul3A_72 : i32 to vector<16xi32>
          %mul3A_74 = arith.muli %min3A_71, %mul3A_73 : vector<16xi32>
          %add3A_75 = arith.addi %mul3A_74, %iota3A : vector<16xi32>
          tpu.vector_store_idx %arg5[%add3A_75], %broadcast_in_dim3A_36 {add = true} : memref<65536xi32, #tpu.memory_space<vmem>>[vector<16xi32>], vector<16xi32>,
          %scan3A_76 = arith.constant 0 : i32
          scf.yield %scan3A_76 : i32
        }
        %scan3A_61 = arith.constant 512 : i32
        %scan3A_62 = arith.constant 0 : i32
        scf.yield %scan3A_62 : i32
      }
      %scan3A_49 = arith.constant 41 : i32
      "tpu.region"() ({
        %run_scoped3A = tpu.sem_alloc : memref<!tpu.dma_semaphore, #tpu.memory_space<semaphore_mem>>
        %dma_start3A = arith.constant 0 : i32
        %dma_start3A_50 = tpu.memref_slice %arg3[%add3A, %dma_start3A] : memref<30x65536xi32, #tpu.memory_space<hbm>> -> memref<1x65536xi32, #tpu.memory_space<hbm>>
        %dma_start3A_51 = tpu.memref_squeeze %dma_start3A_50 : memref<1x65536xi32, #tpu.memory_space<hbm>> -> memref<65536xi32, #tpu.memory_space<hbm>>
        %dma_start3A_52 = arith.constant 0 : i32
        %dma_start3A_53 = tpu.memref_slice %arg3[%add3A, %dma_start3A_52] : memref<30x65536xi32, #tpu.memory_space<hbm>> -> memref<1x65536xi32, #tpu.memory_space<hbm>>
        %dma_start3A_54 = tpu.memref_squeeze %dma_start3A_53 : memref<1x65536xi32, #tpu.memory_space<hbm>> -> memref<65536xi32, #tpu.memory_space<hbm>>
        tpu.enqueue_dma source(%arg5 : memref<65536xi32, #tpu.memory_space<vmem>>) target(%dma_start3A_54 : memref<65536xi32, #tpu.memory_space<hbm>>) target_semaphore(%run_scoped3A : memref<!tpu.dma_semaphore, #tpu.memory_space<semaphore_mem>>)
        %dma_wait3A = arith.constant 0 : i32
        %dma_wait3A_55 = tpu.memref_slice %arg3[%add3A, %dma_wait3A] : memref<30x65536xi32, #tpu.memory_space<hbm>> -> memref<1x65536xi32, #tpu.memory_space<hbm>>
        %dma_wait3A_56 = tpu.memref_squeeze %dma_wait3A_55 : memref<1x65536xi32, #tpu.memory_space<hbm>> -> memref<65536xi32, #tpu.memory_space<hbm>>
        %dma_wait3A_57 = arith.constant 0 : i32
        %dma_wait3A_58 = tpu.memref_slice %arg3[%add3A, %dma_wait3A_57] : memref<30x65536xi32, #tpu.memory_space<hbm>> -> memref<1x65536xi32, #tpu.memory_space<hbm>>
        %dma_wait3A_59 = tpu.memref_squeeze %dma_wait3A_58 : memref<1x65536xi32, #tpu.memory_space<hbm>> -> memref<65536xi32, #tpu.memory_space<hbm>>
        tpu.wait_dma2 semaphore(%run_scoped3A : memref<!tpu.dma_semaphore, #tpu.memory_space<semaphore_mem>>) src(%arg5 : memref<65536xi32, #tpu.memory_space<vmem>>) dst(%dma_wait3A_59 : memref<65536xi32, #tpu.memory_space<hbm>>)
        tpu.yield
      }) : () -> ()
    } else {
    }
    return
  }
}

#map = affine_map<(d0, d1) -> (0, 0)>
#map1 = affine_map<(d0, d1) -> (0)>
module attributes {stable_mosaic.version = 14 : i64} {
  func.func @sc_bins(%arg0: i32, %arg1: i32, %arg2: memref<10x1007616xf32, #tpu.memory_space<hbm>>, %arg3: memref<1007616xi32, #tpu.memory_space<hbm>>, %arg4: memref<10x16xf32, #tpu.memory_space<hbm>>, %arg5: memref<30x1536xf32, #tpu.memory_space<hbm>>, %arg6: memref<8192xf32, #tpu.memory_space<vmem>>, %arg7: memref<8192xi32, #tpu.memory_space<vmem>>, %arg8: memref<16xf32, #tpu.memory_space<vmem>>, %arg9: memref<1536xf32, #tpu.memory_space<vmem>>) attributes {dimension_semantics = [#tpu.dimension_semantics<core_parallel>, #tpu.dimension_semantics<subcore_parallel>], iteration_bounds = array<i64: 2, 16>, scalar_prefetch = 0 : i64, scratch_operands = 4 : i64, tpu.core_type = #tpu.core_type<sc_vector_subcore>, window_params = [{transform_indices = #map}, {transform_indices = #map1}, {transform_indices = #map}, {transform_indices = #map}]} {
    %mul3A = arith.constant 2 : i32
    %mul3A_0 = arith.muli %arg1, %mul3A : i32
    %add3A = arith.addi %mul3A_0, %arg0 : i32
    %lt3A = arith.constant 30 : i32
    %lt3A_1 = arith.cmpi slt, %add3A, %lt3A : i32
    %convert_element_type3A = arith.extui %lt3A_1 : i1 to i32
    %cond3A = arith.constant 0 : i32
    %cond3A_2 = arith.cmpi ne, %convert_element_type3A, %cond3A : i32
    scf.if %cond3A_2 {
      %jit3A = arith.constant 3 : i32
      %div3A = arith.divsi %add3A, %jit3A : i32
      %sign3A = arith.constant 0 : i32
      %sign3A_3 = arith.cmpi sgt, %add3A, %sign3A : i32
      %sign3A_4 = arith.extui %sign3A_3 : i1 to i32
      %sign3A_5 = arith.constant 0 : i32
      %sign3A_6 = arith.cmpi slt, %add3A, %sign3A_5 : i32
      %sign3A_7 = arith.extui %sign3A_6 : i1 to i32
      %sign3A_8 = arith.subi %sign3A_4, %sign3A_7 : i32
      %sign3A_9 = arith.constant 0 : i32
      %sign3A_10 = arith.cmpi sgt, %jit3A, %sign3A_9 : i32
      %sign3A_11 = arith.extui %sign3A_10 : i1 to i32
      %sign3A_12 = arith.constant 0 : i32
      %sign3A_13 = arith.cmpi slt, %jit3A, %sign3A_12 : i32
      %sign3A_14 = arith.extui %sign3A_13 : i1 to i32
      %sign3A_15 = arith.subi %sign3A_11, %sign3A_14 : i32
      %ne3A = arith.cmpi ne, %sign3A_8, %sign3A_15 : i32
      %rem3A = arith.remsi %add3A, %jit3A : i32
      %ne3A_16 = arith.constant 0 : i32
      %ne3A_17 = arith.cmpi ne, %rem3A, %ne3A_16 : i32
      %and3A = arith.andi %ne3A, %ne3A_17 : i1
      %sub3A = arith.constant 1 : i32
      %sub3A_18 = arith.subi %div3A, %sub3A : i32
      %select_n3A = arith.select %and3A, %sub3A_18, %div3A : i32
      %jit3A_19 = arith.constant 3 : i32
      %eq3A = arith.constant 0 : i32
      %eq3A_20 = arith.cmpi eq, %jit3A_19, %eq3A : i32
      %jit3A_21 = arith.constant 1 : i32
      %select_n3A_22 = arith.select %eq3A_20, %jit3A_21, %jit3A_19 : i32
      %rem3A_23 = arith.remsi %add3A, %select_n3A_22 : i32
      %ne3A_24 = arith.constant 0 : i32
      %ne3A_25 = arith.cmpi ne, %rem3A_23, %ne3A_24 : i32
      %lt3A_26 = arith.constant 0 : i32
      %lt3A_27 = arith.cmpi slt, %rem3A_23, %lt3A_26 : i32
      %lt3A_28 = arith.constant 0 : i32
      %lt3A_29 = arith.cmpi slt, %select_n3A_22, %lt3A_28 : i32
      %ne3A_30 = arith.xori %lt3A_27, %lt3A_29 : i1
      %and3A_31 = arith.andi %ne3A_30, %ne3A_25 : i1
      %add3A_32 = arith.addi %rem3A_23, %select_n3A_22 : i32
      %select_n3A_33 = arith.select %and3A_31, %add3A_32, %rem3A_23 : i32
      %mul3A_34 = arith.constant 335872 : i32
      %mul3A_35 = arith.muli %select_n3A_33, %mul3A_34 : i32
      %iota3A = tpu.iota {dimensions = array<i32: 0>} : vector<16xi32>
      %broadcast_in_dim3A = arith.constant 1.000000e+00 : f32
      %broadcast_in_dim3A_36 = vector.broadcast %broadcast_in_dim3A : f32 to vector<16xf32>
      "tpu.region"() ({
        %run_scoped3A = tpu.sem_alloc : memref<!tpu.dma_semaphore, #tpu.memory_space<semaphore_mem>>
        %dma_start3A = arith.constant 0 : i32
        %dma_start3A_56 = tpu.memref_slice %arg4[%select_n3A, %dma_start3A] : memref<10x16xf32, #tpu.memory_space<hbm>> -> memref<1x16xf32, #tpu.memory_space<hbm>>
        %dma_start3A_57 = tpu.memref_squeeze %dma_start3A_56 : memref<1x16xf32, #tpu.memory_space<hbm>> -> memref<16xf32, #tpu.memory_space<hbm>>
        %dma_start3A_58 = arith.constant 0 : i32
        %dma_start3A_59 = tpu.memref_slice %arg4[%select_n3A, %dma_start3A_58] : memref<10x16xf32, #tpu.memory_space<hbm>> -> memref<1x16xf32, #tpu.memory_space<hbm>>
        %dma_start3A_60 = tpu.memref_squeeze %dma_start3A_59 : memref<1x16xf32, #tpu.memory_space<hbm>> -> memref<16xf32, #tpu.memory_space<hbm>>
        tpu.enqueue_dma source(%dma_start3A_60 : memref<16xf32, #tpu.memory_space<hbm>>) target(%arg8 : memref<16xf32, #tpu.memory_space<vmem>>) target_semaphore(%run_scoped3A : memref<!tpu.dma_semaphore, #tpu.memory_space<semaphore_mem>>)
        %dma_wait3A = arith.constant 0 : i32
        %dma_wait3A_61 = tpu.memref_slice %arg4[%select_n3A, %dma_wait3A] : memref<10x16xf32, #tpu.memory_space<hbm>> -> memref<1x16xf32, #tpu.memory_space<hbm>>
        %dma_wait3A_62 = tpu.memref_squeeze %dma_wait3A_61 : memref<1x16xf32, #tpu.memory_space<hbm>> -> memref<16xf32, #tpu.memory_space<hbm>>
        %dma_wait3A_63 = arith.constant 0 : i32
        %dma_wait3A_64 = tpu.memref_slice %arg4[%select_n3A, %dma_wait3A_63] : memref<10x16xf32, #tpu.memory_space<hbm>> -> memref<1x16xf32, #tpu.memory_space<hbm>>
        %dma_wait3A_65 = tpu.memref_squeeze %dma_wait3A_64 : memref<1x16xf32, #tpu.memory_space<hbm>> -> memref<16xf32, #tpu.memory_space<hbm>>
        tpu.wait_dma2 semaphore(%run_scoped3A : memref<!tpu.dma_semaphore, #tpu.memory_space<semaphore_mem>>) src(%dma_wait3A_65 : memref<16xf32, #tpu.memory_space<hbm>>) dst(%arg8 : memref<16xf32, #tpu.memory_space<vmem>>)
        tpu.yield
      }) : () -> ()
      %broadcast_in_dim3A_37 = arith.constant 15 : i32
      %broadcast_in_dim3A_38 = vector.broadcast %broadcast_in_dim3A_37 : i32 to vector<16xi32>
      %gather3A = tpu.vector_load_idx %arg8[%broadcast_in_dim3A_38] : memref<16xf32, #tpu.memory_space<vmem>>[vector<16xi32>], vector<16xf32>,
      %broadcast_in_dim3A_39 = arith.constant 1 : i32
      %broadcast_in_dim3A_40 = vector.broadcast %broadcast_in_dim3A_39 : i32 to vector<16xi32>
      %mul3A_41 = vector.broadcast %select_n3A : i32 to vector<16xi32>
      %mul3A_42 = arith.muli %broadcast_in_dim3A_40, %mul3A_41 : vector<16xi32>
      %scan3A = arith.constant 0 : i32
      %scan3A_43 = arith.constant 0 : i32
      %scan3A_44 = arith.constant 96 : i32
      %scan3A_45 = arith.addi %scan3A_43, %scan3A_44 : i32
      %scan3A_46 = arith.constant 1 : i32
      %scan3A_47 = scf.for %scan3A_56 = %scan3A_43 to %scan3A_45 step %scan3A_46 iter_args(%scan3A_57 = %scan3A) -> (i32)  : i32 {
        %broadcast_in_dim3A_58 = arith.constant 0.000000e+00 : f32
        %broadcast_in_dim3A_59 = vector.broadcast %broadcast_in_dim3A_58 : f32 to vector<16xf32>
        %mul3A_60 = arith.constant 16 : i32
        %mul3A_61 = arith.muli %scan3A_56, %mul3A_60 : i32
        %swap3A = arith.index_cast %mul3A_61 : i32 to index
        %swap3A_62 = tpu.vector_load %arg9[%swap3A] {strides = array<i32>} : memref<1536xf32, #tpu.memory_space<vmem>>, vector<16xf32>,
        tpu.vector_store %arg9[%swap3A], %broadcast_in_dim3A_59 {strides = array<i32>} : memref<1536xf32, #tpu.memory_space<vmem>>, vector<16xf32>,
        %scan3A_63 = arith.constant 0 : i32
        scf.yield %scan3A_63 : i32
      }
      %scan3A_48 = arith.constant 96 : i32
      %scan3A_49 = arith.constant 0 : i32
      %scan3A_50 = arith.constant 0 : i32
      %scan3A_51 = arith.constant 41 : i32
      %scan3A_52 = arith.addi %scan3A_50, %scan3A_51 : i32
      %scan3A_53 = arith.constant 1 : i32
      %scan3A_54 = scf.for %scan3A_56 = %scan3A_50 to %scan3A_52 step %scan3A_53 iter_args(%scan3A_57 = %scan3A_49) -> (i32)  : i32 {
        %mul3A_58 = arith.constant 8192 : i32
        %mul3A_59 = arith.muli %scan3A_56, %mul3A_58 : i32
        %add3A_60 = arith.addi %mul3A_35, %mul3A_59 : i32
        "tpu.region"() ({
          %run_scoped3A = tpu.sem_alloc : memref<!tpu.dma_semaphore, #tpu.memory_space<semaphore_mem>>
          %dma_start3A = tpu.memref_slice %arg2[%select_n3A, %add3A_60] : memref<10x1007616xf32, #tpu.memory_space<hbm>> -> memref<1x8192xf32, #tpu.memory_space<hbm>>
          %dma_start3A_72 = tpu.memref_squeeze %dma_start3A : memref<1x8192xf32, #tpu.memory_space<hbm>> -> memref<8192xf32, #tpu.memory_space<hbm>>
          %dma_start3A_73 = tpu.memref_slice %arg2[%select_n3A, %add3A_60] : memref<10x1007616xf32, #tpu.memory_space<hbm>> -> memref<1x8192xf32, #tpu.memory_space<hbm>>
          %dma_start3A_74 = tpu.memref_squeeze %dma_start3A_73 : memref<1x8192xf32, #tpu.memory_space<hbm>> -> memref<8192xf32, #tpu.memory_space<hbm>>
          tpu.enqueue_dma source(%dma_start3A_74 : memref<8192xf32, #tpu.memory_space<hbm>>) target(%arg6 : memref<8192xf32, #tpu.memory_space<vmem>>) target_semaphore(%run_scoped3A : memref<!tpu.dma_semaphore, #tpu.memory_space<semaphore_mem>>)
          %dma_wait3A = tpu.memref_slice %arg2[%select_n3A, %add3A_60] : memref<10x1007616xf32, #tpu.memory_space<hbm>> -> memref<1x8192xf32, #tpu.memory_space<hbm>>
          %dma_wait3A_75 = tpu.memref_squeeze %dma_wait3A : memref<1x8192xf32, #tpu.memory_space<hbm>> -> memref<8192xf32, #tpu.memory_space<hbm>>
          %dma_wait3A_76 = tpu.memref_slice %arg2[%select_n3A, %add3A_60] : memref<10x1007616xf32, #tpu.memory_space<hbm>> -> memref<1x8192xf32, #tpu.memory_space<hbm>>
          %dma_wait3A_77 = tpu.memref_squeeze %dma_wait3A_76 : memref<1x8192xf32, #tpu.memory_space<hbm>> -> memref<8192xf32, #tpu.memory_space<hbm>>
          tpu.wait_dma2 semaphore(%run_scoped3A : memref<!tpu.dma_semaphore, #tpu.memory_space<semaphore_mem>>) src(%dma_wait3A_77 : memref<8192xf32, #tpu.memory_space<hbm>>) dst(%arg6 : memref<8192xf32, #tpu.memory_space<vmem>>)
          tpu.yield
        }) : () -> ()
        %mul3A_61 = arith.constant 8192 : i32
        %mul3A_62 = arith.muli %scan3A_56, %mul3A_61 : i32
        %add3A_63 = arith.addi %mul3A_35, %mul3A_62 : i32
        "tpu.region"() ({
          %run_scoped3A = tpu.sem_alloc : memref<!tpu.dma_semaphore, #tpu.memory_space<semaphore_mem>>
          %dma_start3A = tpu.memref_slice %arg3[%add3A_63] : memref<1007616xi32, #tpu.memory_space<hbm>> -> memref<8192xi32, #tpu.memory_space<hbm>>
          %dma_start3A_72 = tpu.memref_slice %arg3[%add3A_63] : memref<1007616xi32, #tpu.memory_space<hbm>> -> memref<8192xi32, #tpu.memory_space<hbm>>
          tpu.enqueue_dma source(%dma_start3A_72 : memref<8192xi32, #tpu.memory_space<hbm>>) target(%arg7 : memref<8192xi32, #tpu.memory_space<vmem>>) target_semaphore(%run_scoped3A : memref<!tpu.dma_semaphore, #tpu.memory_space<semaphore_mem>>)
          %dma_wait3A = tpu.memref_slice %arg3[%add3A_63] : memref<1007616xi32, #tpu.memory_space<hbm>> -> memref<8192xi32, #tpu.memory_space<hbm>>
          %dma_wait3A_73 = tpu.memref_slice %arg3[%add3A_63] : memref<1007616xi32, #tpu.memory_space<hbm>> -> memref<8192xi32, #tpu.memory_space<hbm>>
          tpu.wait_dma2 semaphore(%run_scoped3A : memref<!tpu.dma_semaphore, #tpu.memory_space<semaphore_mem>>) src(%dma_wait3A_73 : memref<8192xi32, #tpu.memory_space<hbm>>) dst(%arg7 : memref<8192xi32, #tpu.memory_space<vmem>>)
          tpu.yield
        }) : () -> ()
        %scan3A_64 = arith.constant 0 : i32
        %scan3A_65 = arith.constant 0 : i32
        %scan3A_66 = arith.constant 512 : i32
        %scan3A_67 = arith.addi %scan3A_65, %scan3A_66 : i32
        %scan3A_68 = arith.constant 1 : i32
        %scan3A_69 = scf.for %scan3A_72 = %scan3A_65 to %scan3A_67 step %scan3A_68 iter_args(%scan3A_73 = %scan3A_64) -> (i32)  : i32 {
          %mul3A_74 = arith.constant 16 : i32
          %mul3A_75 = arith.muli %scan3A_72, %mul3A_74 : i32
          %get3A = arith.index_cast %mul3A_75 : i32 to index
          %get3A_76 = tpu.vector_load %arg6[%get3A] {strides = array<i32>} : memref<8192xf32, #tpu.memory_space<vmem>>, vector<16xf32>,
          %mul3A_77 = arith.constant 16 : i32
          %mul3A_78 = arith.muli %scan3A_72, %mul3A_77 : i32
          %get3A_79 = arith.index_cast %mul3A_78 : i32 to index
          %get3A_80 = tpu.vector_load %arg7[%get3A_79] {strides = array<i32>} : memref<8192xi32, #tpu.memory_space<vmem>>, vector<16xi32>,
          %broadcast_in_dim3A_81 = arith.constant 0 : i32
          %broadcast_in_dim3A_82 = vector.broadcast %broadcast_in_dim3A_81 : i32 to vector<16xi32>
          %add3A_83 = arith.constant 8 : i32
          %add3A_84 = vector.broadcast %add3A_83 : i32 to vector<16xi32>
          %add3A_85 = arith.addi %broadcast_in_dim3A_82, %add3A_84 : vector<16xi32>
          %sub3A_86 = arith.constant 1 : i32
          %sub3A_87 = vector.broadcast %sub3A_86 : i32 to vector<16xi32>
          %sub3A_88 = arith.subi %add3A_85, %sub3A_87 : vector<16xi32>
          %gather3A_89 = tpu.vector_load_idx %arg8[%sub3A_88] : memref<16xf32, #tpu.memory_space<vmem>>[vector<16xi32>], vector<16xf32>,
          %lt3A_90 = arith.cmpf olt, %gather3A_89, %get3A_76 : vector<16xf32>
          %select_n3A_91 = arith.select %lt3A_90, %add3A_85, %broadcast_in_dim3A_82 : vector<16xi1>, vector<16xi32>
          %add3A_92 = arith.constant 4 : i32
          %add3A_93 = vector.broadcast %add3A_92 : i32 to vector<16xi32>
          %add3A_94 = arith.addi %select_n3A_91, %add3A_93 : vector<16xi32>
          %sub3A_95 = arith.constant 1 : i32
          %sub3A_96 = vector.broadcast %sub3A_95 : i32 to vector<16xi32>
          %sub3A_97 = arith.subi %add3A_94, %sub3A_96 : vector<16xi32>
          %gather3A_98 = tpu.vector_load_idx %arg8[%sub3A_97] : memref<16xf32, #tpu.memory_space<vmem>>[vector<16xi32>], vector<16xf32>,
          %lt3A_99 = arith.cmpf olt, %gather3A_98, %get3A_76 : vector<16xf32>
          %select_n3A_100 = arith.select %lt3A_99, %add3A_94, %select_n3A_91 : vector<16xi1>, vector<16xi32>
          %add3A_101 = arith.constant 2 : i32
          %add3A_102 = vector.broadcast %add3A_101 : i32 to vector<16xi32>
          %add3A_103 = arith.addi %select_n3A_100, %add3A_102 : vector<16xi32>
          %sub3A_104 = arith.constant 1 : i32
          %sub3A_105 = vector.broadcast %sub3A_104 : i32 to vector<16xi32>
          %sub3A_106 = arith.subi %add3A_103, %sub3A_105 : vector<16xi32>
          %gather3A_107 = tpu.vector_load_idx %arg8[%sub3A_106] : memref<16xf32, #tpu.memory_space<vmem>>[vector<16xi32>], vector<16xf32>,
          %lt3A_108 = arith.cmpf olt, %gather3A_107, %get3A_76 : vector<16xf32>
          %select_n3A_109 = arith.select %lt3A_108, %add3A_103, %select_n3A_100 : vector<16xi1>, vector<16xi32>
          %add3A_110 = arith.constant 1 : i32
          %add3A_111 = vector.broadcast %add3A_110 : i32 to vector<16xi32>
          %add3A_112 = arith.addi %select_n3A_109, %add3A_111 : vector<16xi32>
          %sub3A_113 = arith.constant 1 : i32
          %sub3A_114 = vector.broadcast %sub3A_113 : i32 to vector<16xi32>
          %sub3A_115 = arith.subi %add3A_112, %sub3A_114 : vector<16xi32>
          %gather3A_116 = tpu.vector_load_idx %arg8[%sub3A_115] : memref<16xf32, #tpu.memory_space<vmem>>[vector<16xi32>], vector<16xf32>,
          %lt3A_117 = arith.cmpf olt, %gather3A_116, %get3A_76 : vector<16xf32>
          %select_n3A_118 = arith.select %lt3A_117, %add3A_112, %select_n3A_109 : vector<16xi1>, vector<16xi32>
          %eq3A_119 = arith.cmpi eq, %get3A_80, %mul3A_42 : vector<16xi32>
          %jit3A_120 = arith.constant 1 : i32
          %jit3A_121 = arith.constant 0 : i32
          %broadcast_in_dim3A_122 = vector.broadcast %jit3A_120 : i32 to vector<16xi32>
          %broadcast_in_dim3A_123 = vector.broadcast %jit3A_121 : i32 to vector<16xi32>
          %select_n3A_124 = arith.select %eq3A_119, %broadcast_in_dim3A_122, %broadcast_in_dim3A_123 : vector<16xi1>, vector<16xi32>
          %mul3A_125 = arith.constant 2 : i32
          %mul3A_126 = vector.broadcast %mul3A_125 : i32 to vector<16xi32>
          %mul3A_127 = arith.muli %select_n3A_118, %mul3A_126 : vector<16xi32>
          %add3A_128 = arith.addi %mul3A_127, %select_n3A_124 : vector<16xi32>
          %mul3A_129 = arith.constant 48 : i32
          %mul3A_130 = vector.broadcast %mul3A_129 : i32 to vector<16xi32>
          %mul3A_131 = arith.muli %add3A_128, %mul3A_130 : vector<16xi32>
          %add3A_132 = arith.addi %mul3A_131, %iota3A : vector<16xi32>
          %le3A = arith.cmpf ole, %get3A_76, %gather3A : vector<16xf32>
          tpu.vector_store_idx %arg9[%add3A_132], %broadcast_in_dim3A_36 masked %le3A {add = true} : memref<1536xf32, #tpu.memory_space<vmem>>[vector<16xi32>], vector<16xf32>, vector<16xi1>
          %add3A_133 = arith.constant 16 : i32
          %add3A_134 = vector.broadcast %add3A_133 : i32 to vector<16xi32>
          %add3A_135 = arith.addi %add3A_132, %add3A_134 : vector<16xi32>
          tpu.vector_store_idx %arg9[%add3A_135], %get3A_76 masked %le3A {add = true} : memref<1536xf32, #tpu.memory_space<vmem>>[vector<16xi32>], vector<16xf32>, vector<16xi1>
          %add3A_136 = arith.constant 32 : i32
          %add3A_137 = vector.broadcast %add3A_136 : i32 to vector<16xi32>
          %add3A_138 = arith.addi %add3A_132, %add3A_137 : vector<16xi32>
          %mul3A_139 = arith.mulf %get3A_76, %get3A_76 : vector<16xf32>
          tpu.vector_store_idx %arg9[%add3A_138], %mul3A_139 masked %le3A {add = true} : memref<1536xf32, #tpu.memory_space<vmem>>[vector<16xi32>], vector<16xf32>, vector<16xi1>
          %scan3A_140 = arith.constant 0 : i32
          scf.yield %scan3A_140 : i32
        }
        %scan3A_70 = arith.constant 512 : i32
        %scan3A_71 = arith.constant 0 : i32
        scf.yield %scan3A_71 : i32
      }
      %scan3A_55 = arith.constant 41 : i32
      "tpu.region"() ({
        %run_scoped3A = tpu.sem_alloc : memref<!tpu.dma_semaphore, #tpu.memory_space<semaphore_mem>>
        %dma_start3A = arith.constant 0 : i32
        %dma_start3A_56 = tpu.memref_slice %arg5[%add3A, %dma_start3A] : memref<30x1536xf32, #tpu.memory_space<hbm>> -> memref<1x1536xf32, #tpu.memory_space<hbm>>
        %dma_start3A_57 = tpu.memref_squeeze %dma_start3A_56 : memref<1x1536xf32, #tpu.memory_space<hbm>> -> memref<1536xf32, #tpu.memory_space<hbm>>
        %dma_start3A_58 = arith.constant 0 : i32
        %dma_start3A_59 = tpu.memref_slice %arg5[%add3A, %dma_start3A_58] : memref<30x1536xf32, #tpu.memory_space<hbm>> -> memref<1x1536xf32, #tpu.memory_space<hbm>>
        %dma_start3A_60 = tpu.memref_squeeze %dma_start3A_59 : memref<1x1536xf32, #tpu.memory_space<hbm>> -> memref<1536xf32, #tpu.memory_space<hbm>>
        tpu.enqueue_dma source(%arg9 : memref<1536xf32, #tpu.memory_space<vmem>>) target(%dma_start3A_60 : memref<1536xf32, #tpu.memory_space<hbm>>) target_semaphore(%run_scoped3A : memref<!tpu.dma_semaphore, #tpu.memory_space<semaphore_mem>>)
        %dma_wait3A = arith.constant 0 : i32
        %dma_wait3A_61 = tpu.memref_slice %arg5[%add3A, %dma_wait3A] : memref<30x1536xf32, #tpu.memory_space<hbm>> -> memref<1x1536xf32, #tpu.memory_space<hbm>>
        %dma_wait3A_62 = tpu.memref_squeeze %dma_wait3A_61 : memref<1x1536xf32, #tpu.memory_space<hbm>> -> memref<1536xf32, #tpu.memory_space<hbm>>
        %dma_wait3A_63 = arith.constant 0 : i32
        %dma_wait3A_64 = tpu.memref_slice %arg5[%add3A, %dma_wait3A_63] : memref<30x1536xf32, #tpu.memory_space<hbm>> -> memref<1x1536xf32, #tpu.memory_space<hbm>>
        %dma_wait3A_65 = tpu.memref_squeeze %dma_wait3A_64 : memref<1x1536xf32, #tpu.memory_space<hbm>> -> memref<1536xf32, #tpu.memory_space<hbm>>
        tpu.wait_dma2 semaphore(%run_scoped3A : memref<!tpu.dma_semaphore, #tpu.memory_space<semaphore_mem>>) src(%arg9 : memref<1536xf32, #tpu.memory_space<vmem>>) dst(%dma_wait3A_65 : memref<1536xf32, #tpu.memory_space<hbm>>)
        tpu.yield
      }) : () -> ()
    } else {
    }
    return
  }
}

module attributes {stable_mosaic.version = 14 : i64} {
  func.func @_softmax_body(%arg0: i32, %arg1: memref<2048x10xf32, #tpu.memory_space<vmem>>, %arg2: memref<10x2048xi32, #tpu.memory_space<vmem>>) attributes {dimension_semantics = [#tpu.dimension_semantics<arbitrary>], iteration_bounds = array<i64: 492>, scalar_prefetch = 0 : i64, scratch_operands = 0 : i64, tpu.core_type = #tpu.core_type<tc>, window_params = [{transform_indices = @transform_0, window_bounds = array<i64: 2048, 10>}, {transform_indices = @transform_1, window_bounds = array<i64: 10, 2048>}]} {
    %get3A = arith.constant 0 : index
    %get3A_0 = arith.constant 0 : index
    %get3A_1 = vector.load %arg1[%get3A, %get3A_0] : memref<2048x10xf32, #tpu.memory_space<vmem>>, vector<2048x10xf32>
    %reduce_max3A = arith.constant dense<0xFF800000> : vector<2048xf32>
    %reduce_max3A_2 = vector.multi_reduction <maximumf>, %get3A_1, %reduce_max3A [1] : vector<2048x10xf32> to vector<2048xf32>
    %broadcast_in_dim3A = vector.shape_cast %reduce_max3A_2 : vector<2048xf32> to vector<2048x1xf32>
    %sub3A = vector.broadcast %broadcast_in_dim3A : vector<2048x1xf32> to vector<2048x10xf32>
    %sub3A_3 = arith.subf %get3A_1, %sub3A : vector<2048x10xf32>
    %exp3A = math.exp %sub3A_3 : vector<2048x10xf32>
    %reduce_sum3A = arith.constant dense<0.000000e+00> : vector<2048xf32>
    %reduce_sum3A_4 = vector.multi_reduction <add>, %exp3A, %reduce_sum3A [1] : vector<2048x10xf32> to vector<2048xf32>
    %broadcast_in_dim3A_5 = vector.shape_cast %reduce_sum3A_4 : vector<2048xf32> to vector<2048x1xf32>
    %div3A = vector.broadcast %broadcast_in_dim3A_5 : vector<2048x1xf32> to vector<2048x10xf32>
    %div3A_6 = arith.divf %exp3A, %div3A : vector<2048x10xf32>
    %mul3A = arith.constant 2048 : i32
    %mul3A_7 = arith.muli %arg0, %mul3A : i32
    %iota3A = tpu.iota {dimensions = array<i32: 1>} : vector<10x2048xi32>
    %add3A = vector.broadcast %mul3A_7 : i32 to vector<10x2048xi32>
    %add3A_8 = arith.addi %add3A, %iota3A : vector<10x2048xi32>
    %lt3A = arith.constant 1000000 : i32
    %lt3A_9 = vector.broadcast %lt3A : i32 to vector<10x2048xi32>
    %lt3A_10 = arith.cmpi slt, %add3A_8, %lt3A_9 : vector<10x2048xi32>
    %transpose3A = tpu.transpose %div3A_6, [1, 0] : vector<2048x10xf32> -> vector<10x2048xf32>
    %jit3A = arith.constant 1.968750e+00 : f32
    %broadcast_in_dim3A_11 = vector.broadcast %jit3A : f32 to vector<10x2048xf32>
    %select_n3A = arith.select %lt3A_10, %transpose3A, %broadcast_in_dim3A_11 : vector<10x2048xi1>, vector<10x2048xf32>
    %bitcast_convert_type3A = tpu.bitcast %select_n3A : vector<10x2048xf32> -> vector<10x2048xi32>
    %swap3A = arith.constant 0 : index
    %swap3A_12 = arith.constant 0 : index
    %swap3A_13 = vector.load %arg2[%swap3A, %swap3A_12] : memref<10x2048xi32, #tpu.memory_space<vmem>>, vector<10x2048xi32>
    tpu.vector_store %arg2[%swap3A, %swap3A_12], %bitcast_convert_type3A {strides = array<i32>} : memref<10x2048xi32, #tpu.memory_space<vmem>>, vector<10x2048xi32>,
    return
  }
  func.func @transform_0(%arg0: i32) -> (i32, i32) {
    %c0_i32 = arith.constant 0 : i32
    %c0_i32_0 = arith.constant 0 : i32
    return %arg0, %c0_i32 : i32, i32
  }
  func.func @transform_1(%arg0: i32) -> (i32, i32) {
    %c0_i32 = arith.constant 0 : i32
    %c0_i32_0 = arith.constant 0 : i32
    return %c0_i32, %arg0 : i32, i32
  }
}

</mosaic_0001>

<sc_bundles>
// kernel: kernel.12.cloned.1.call-start
scs
__scs_entry_jumppad:
0x0: {  	(pc) =	sbr.rel $0x88, $3  }
0x1: {  	(tag) =	ssettag $0x0;
	lr =	simm.s32 $0x1  }
0x2: {  	[smem:$0x3F9F] =	sst lr;
	_ =	strace $0xD0000000  }
0x3: {  	_ = 	snop  }
0x4: {  	_ = 	snop  }
0x5: {  	_ = 	snop  }
0x6: {  	_ = 	snop  }
0x7: {  	_ = 	snop  }
__scs_overlays_trampoline_lowered:
0x8: {  	[smem:$0x3FAE] =	sst s0  }
0x9: {  	[smem:$0x3FAF] =	sst s1  }
0xa: {  	[smem:$0x3FB0] =	sst s2  }
0xb: {  	[smem:$0x3FB1] =	sst s3  }
0xc: {  	[smem:$0x3FB2] =	sst s4  }
0xd: {  	[smem:$0x3FB3] =	sst s5  }
0xe: {  	[smem:$0x3FB4] =	sst s6  }
0xf: {  	[smem:$0x3FB5] =	sst s7  }
0x10: {  	[smem:$0x3FB6] =	sst s8  }
0x11: {  	[smem:$0x3FB7] =	sst s9;
	s0 =	simm.s32 @!p0 $0x0  }
0x12: {  	s1 =	sld [smem:$0x3F9D];
	s0 =	simm.s32 @p0 $0x1  }
0x13: {  	[smem:$0x3FB8] =	sst s0;
	s0 =	simm.s32 @!p1 $0x0  }
0x14: {  	s2 =	sld [smem:$0x3F9C];
	s0 =	simm.s32 @p1 $0x1  }
0x15: {  	[smem:$0x3FB9] =	sst s0;
	s0 =	simm.s32 @!p2 $0x0  }
0x16: {  	s3 =	sld [smem:$0x3FDB];
	s0 =	simm.s32 @p2 $0x1  }
0x17: {  	s4 =	simm.s32 $0x1BF5;
	[smem:$0x3FBB] =	sst s0  }
0x18: {  	s0 =	sld [smem:$0x3F9E];
	_ =	swait.ge [sflag:s4], $0x0  }
0x19: {  	s7 =	sld [smem:$0x3F9F]  }
0x1a: {  	s8 =	sadd.s32 $0xFFFFE003, lr  }
0x1b: {  	s9 =	sadd.s32 $0xFFFFFEF7, lr;
	s5 =	simm.s32 $0xFFFFFFFF;
	p2 =	slt.u32 s8, $0xFFFFF086  }
0x1c: {  	p1 =	slt.u32 s9, $0xF7A;
	s5 =	simm.s32 @!p2 $0x0  }
0x1d: {  	s5 =	simm.s32 @p1 $0x1;
	p0 =	seq.s32 s7, s2  }
0x1e: {  	s7 =	smul.u32 @!p0 $0xF7A, s2;
	p2 =	seq.s32 @!p0 s5, $0x0  }
0x1f: {  	s9 =	smul.u32 $0xF7A, s1;
	s8 =	simm.s32 @!p0 $0x1BF5;
	p2 =	por !p2, p0  }
0x20: {  	[sflag:s8] =	ssyncset.s32 @!p0 $0xFFFFF086;
	s6 =	sadd.s32 @!p0 s3, s7;
	s7 =	simm.s32 @!p0 $0x108  }
0x21: {  	s3 =	sadd.s32 s3, s9;
	s6 =	sadd.s32 @!p0 $0x88, s6;
	s7 =	simm.s32 @p2 $0x1082  }
0x22: {  	[simem:s7], [sflag:s8] =	dma.local @!p0 [hbm:s6], $0xF7A  }
0x23: {  	s9 =	sor.u32 $0xD0000000, s2;
	s6 =	simm.s32 $0x108;
	_ =	swait.ge @!p0 [sflag:s8], $0x0  }
0x24: {  	s3 =	sadd.s32 $0x88, s3;
	s6 =	simm.s32 @!p1 $0x1082;
	[sflag:s4] =	ssyncset.s32 $0xFFFFF086  }
0x25: {  	[simem:s6], [sflag:s4] =	dma.local [hbm:s3], $0xF7A  }
0x26: {  	[smem:$0x3F9F] =	sst s1;
	(tag) =	ssettag s2;
	_ =	strace s9  }
0x27: {  	s1 =	sld [smem:$0x3FAF]  }
0x28: {  	s2 =	sld [smem:$0x3FB0]  }
0x29: {  	s4 =	sld [smem:$0x3FB2]  }
0x2a: {  	p0 =	seq.s32 s5, $0x0;
	s5 =	sld [smem:$0x3FB3]  }
0x2b: {  	s6 =	sld [smem:$0x3FB4]  }
0x2c: {  	s7 =	sld [smem:$0x3FB5]  }
0x2d: {  	s3 =	simm.s32 $0x108;
	s8 =	sld [smem:$0x3FB6]  }
0x2e: {  	s3 =	simm.s32 @!p0 $0x1082;
	s9 =	sld [smem:$0x3FB7]  }
0x2f: {  	lr =	sadd.s32 s0, s3;
	s0 =	sld [smem:$0x3FAE]  }
0x30: {  	s3 =	sld [smem:$0x3FB1]  }
0x31: {  	[smem:$0x3FBA] =	sst s10  }
0x32: {  	s10 =	sld [smem:$0x3FB8];
	_ =	sdelay $0x3  }
0x33: {  	p0 =	seq.s32 s10, $0x1;
	s10 =	sld [smem:$0x3FBA];
	_ =	sdelay $0x3  }
0x34: {  	[smem:$0x3FBA] =	sst s10  }
0x35: {  	s10 =	sld [smem:$0x3FB9];
	_ =	sdelay $0x3  }
0x36: {  	p1 =	seq.s32 s10, $0x1;
	s10 =	sld [smem:$0x3FBA];
	_ =	sdelay $0x3  }
0x37: {  	[smem:$0x3FBA] =	sst s10  }
0x38: {  	s10 =	sld [smem:$0x3FBB]  }
0x39: {  	_ = 	snop;
	(pc) =	sbr.ind lr, $3  }
0x3a: {  	_ = 	snop  }
0x3b: {  	_ = 	snop  }
0x3c: {  	p2 =	seq.s32 s10, $0x1;
	s10 =	sld [smem:$0x3FBA]  }
0x3d: {  	_ =	shalt  }
0x3e: {  	_ =	shalt  }
0x3f: {  	_ =	shalt  }
0x40: {  	_ =	shalt  }
0x41: {  	_ =	shalt  }
0x42: {  	_ =	shalt  }
0x43: {  	_ =	shalt  }
0x44: {  	_ =	shalt  }
0x45: {  	_ =	shalt  }
0x46: {  	_ =	shalt  }
0x47: {  	_ =	shalt  }
0x48: {  	_ =	shalt  }
0x49: {  	_ =	shalt  }
0x4a: {  	_ =	shalt  }
0x4b: {  	_ =	shalt  }
0x4c: {  	_ =	shalt  }
0x4d: {  	_ =	shalt  }
0x4e: {  	_ =	shalt  }
0x4f: {  	_ =	shalt  }
0x50: {  	_ =	shalt  }
0x51: {  	_ =	shalt  }
0x52: {  	_ =	shalt  }
0x53: {  	_ =	shalt  }
0x54: {  	_ =	shalt  }
0x55: {  	_ =	shalt  }
0x56: {  	_ =	shalt  }
0x57: {  	_ =	shalt  }
0x58: {  	_ =	shalt  }
0x59: {  	_ =	shalt  }
0x5a: {  	_ =	shalt  }
0x5b: {  	_ =	shalt  }
0x5c: {  	_ =	shalt  }
0x5d: {  	_ =	shalt  }
0x5e: {  	_ =	shalt  }
0x5f: {  	_ =	shalt  }
0x60: {  	_ =	shalt  }
0x61: {  	_ =	shalt  }
0x62: {  	_ =	shalt  }
0x63: {  	_ =	shalt  }
0x64: {  	_ =	shalt  }
0x65: {  	_ =	shalt  }
0x66: {  	_ =	shalt  }
0x67: {  	_ =	shalt  }
0x68: {  	_ =	shalt  }
0x69: {  	_ =	shalt  }
0x6a: {  	_ =	shalt  }
0x6b: {  	_ =	shalt  }
0x6c: {  	_ =	shalt  }
0x6d: {  	_ =	shalt  }
0x6e: {  	_ =	shalt  }
0x6f: {  	_ =	shalt  }
0x70: {  	_ =	shalt  }
0x71: {  	_ =	shalt  }
0x72: {  	_ =	shalt  }
0x73: {  	_ =	shalt  }
0x74: {  	_ =	shalt  }
0x75: {  	_ =	shalt  }
0x76: {  	_ =	shalt  }
0x77: {  	_ =	shalt  }
0x78: {  	_ =	shalt  }
0x79: {  	_ =	shalt  }
0x7a: {  	_ =	shalt  }
0x7b: {  	_ =	shalt  }
0x7c: {  	_ =	shalt  }
0x7d: {  	_ =	shalt  }
0x7e: {  	_ =	shalt  }
0x7f: {  	_ =	shalt  }
0x80: {  	_ =	shalt  }
0x81: {  	_ =	shalt  }
0x82: {  	_ =	shalt  }
0x83: {  	_ =	shalt  }
0x84: {  	_ =	shalt  }
0x85: {  	_ =	shalt  }
0x86: {  	_ =	shalt  }
0x87: {  	_ =	shalt  }
.Lfunc_end0:
.L_simem_size_0:
called_computation.2_lowered:
.L_overlay_start_0:
0x88: {  	s2 =	sld [smem:$0x3FD9]  }
0x89: {  	s3 =	sld [smem:$0x3FFE];
	_ =	sdelay $0x1  }
0x8a: {  	s1 =	srdreg.scid  }
0x8b: {  	s0 =	sand.u32 $0x1, s1  }
0x8c: {  	s16 =	sshll.u32 s0, $0xA;
	s2 =	sadd.s32 s3, s2  }
0x8d: {  	s2 =	sadd.s32 s2, s16  }
0x8e: {  	[smem:$0x3FC6] =	sst s2  }
0x8f: {  	_ = 	snop  }
0x90: {  	(tm) =	ssettm $0x1  }
0x91: {  	s17 =	sld [smem:$0x3FFB];
	_ =	sdelay $0x3  }
0x92: {  	_ =	strace s17  }
0x93: {  	s2 =	sld [smem:$0x3FFC];
	_ =	sdelay $0x3  }
0x94: {  	_ =	strace s2  }
0x95: {  	s2 =	sld [smem:$0x3FFD];
	_ =	sdelay $0x3  }
0x96: {  	_ =	strace s2  }
0x97: {  	_ =	strace $0x8FFFFFFF  }
0x98: {  	s18 =	sld [smem:$0x3FDB];
	_ =	sdelay $0x1  }
0x99: {  	s19 =	simm.s32 $_scs_section_size  }
0x9a: {  	s4 =	simm.s32 $_size__tile_overlayer_lowered;
	s5 =	simm.s32 $_tile_overlayer_lowered  }
0x9b: {  	s22 =	simm.s32 $0x1BFF;
	s21 =	sshll.u32 s5, $0x1;
	s2 =	sadd.s32 s19, s18  }
0x9c: {  	s6 =	simm.s32 $0x0;
	s20 =	sshll.u32 s4, $0x1;
	s4 =	sadd.s32 s21, s2  }
0x9d: {  	[timem:s6], [sflag:s22] =	dma.local [hbm:s4], s20  }
0x9e: {  	_ =	swait.ge [sflag:s22], s20  }
0x9f: {  	s3 =	ssub.s32 $0x0, s20;
	[sflag:s22] =	ssyncset.done $0x0  }
0xa0: {  	[sflag:s22] =	ssyncadd.s32 s3;
	_ =	sdelay $0x1  }
0xa1: {  	s23 =	simm.s32 $0x1B8B  }
0xa2: {  	_ =	swait.ge [sflag:s23], $0x1  }
0xa3: {  	[sflag:s23] =	ssyncset.done $0x0  }
0xa4: {  	s25 =	simm.s32 $0x1B8E;
	s24 =	sld [smem:$0x3FFE];
	[sflag:s23] =	ssyncadd.s32 $0xFFFFFFFF  }
0xa5: {  	s26 =	simm.s32 $execute0_lowered;
	[smem:$0x3FD2] =	sst s25  }
0xa6: {  	s4 =	sshll.u32 s26, $0x1;
	_ =	strace $0x8000004C;
	[dreg:$0x1] =	wrdreg $0xFFFFFFFF  }
0xa7: {  	s28 =	simm.s32 $_size_execute0_lowered;
	s2 =	sadd.s32 s2, s4;
	[dreg:$0x0] =	wrdreg $0x0  }
0xa8: {  	s4 =	sshll.u32 s28, $0x1;
	[dreg:$0x2] =	wrdreg s2  }
0xa9: {  	[dreg:$0x3] =	wrdreg s4  }
0xaa: {  	[dreg:$0x4] =	wrdreg $0xC0  }
0xab: {  	_ =	task [dreg:s6], $0x5FFFF  }
0xac: {  	[dreg:$0x1] =	wrdreg $0xFFFFFFFF  }
0xad: {  	[dreg:$0x0] =	wrdreg $0x60  }
0xae: {  	[dreg:$0x2] =	wrdreg s24  }
0xaf: {  	[dreg:$0x3] =	wrdreg $0x9  }
0xb0: {  	_ =	task.clear_ibuf [dreg:s6], $0x4FFFF;
	_ =	strace $0x9000004C  }
0xb1: {  	s29 =	simm.s32 $0x9;
	_ =	strace $0x8000004E  }
0xb2: {  	_ =	swait.ge [sflag:s29], $0x1  }
0xb3: {  	[sflag:s29] =	ssyncadd.s32 $0xFFFFFFFF  }
0xb4: {  	_ =	strace $0x9000004E  }
0xb5: {  	_ =	sfence  }
0xb6: {  	s30 =	sld [smem:$0x0];
	_ =	sdelay $0x2  }
0xb7: {  	s31 =	sshll.u32 s1, $0xD;
	s1 =	sshrl.u32 s1, $0x2  }
0xb8: {  	s3 =	sand.u32 $0x4000, s31;
	s1 =	sadd.s32 s1, s30  }
0xb9: {  	s0 =	sor.u32 s3, s0;
	s1 =	sshll.u32 s1, $0x11  }
0xba: {  	s0 =	sor.u32 s1, s0  }
0xbb: {  	s0 =	sadd.s32 $0x8F2B, s0  }
0xbc: {  	[sflag:s0] =	ssyncadd.remote.s32 $0x1  }
0xbd: {  	_ =	sfence.sel $0xFFFF  }
0xbe: {  	[dreg:$0x0] =	wrdreg $0xFFFFFFFF;
	(pc) =	sbr.abs _section_cstart, $3  }
0xbf: {  	[dreg:$0x1] =	wrdreg $0xFFFFFFFF  }
0xc0: {  	_ =	task.clear_ibuf [dreg:s6], $0x2FFFF;
	_ =	strace $0x9FFFFFFF  }
0xc1: {  	(tm) =	ssettm $0x7FFFFFFF  }
tec
execute0_lowered:
.L_overlay_start_1:
0x0: {  	(tag) =	ssettag $0x1  }
0x1: {  	s1 =	stileid.u32  }
0x2: {  	p0 =	seq.s32 s1, $0xF  }
.Ltmp0:
0x3: {  	_ = 	snop;
	(pc) =	sbr.rel @p0 .LBB2_9-.Ltmp0, $4  }
0x4: {  	_ = 	snop  }
0x5: {  	s6 =	rddreg [dreg:$0x0];
	s2 =	simm.s32 $0x0  }
0x6: {  	[smem:$0x7FF] =	sst s2  }
0x7: {  	s0 =	rddreg [dreg:$0x1];
	_ =	strace $0x8000004D  }
0x8: {  	s3 =	srdreg.scid;
	s26 =	sshll.u32 s1, $0x1  }
0x9: {  	s5 =	sshrl.u32 s1, $0x2;
	s10 =	sadd.s32 $0x22A000, s6;
	s7 =	sand.u32 $0x1, s3  }
0xa: {  	s5 =	smul.u32 $0x3000, s5;
	s3 =	sor.u32 s7, s26;
	s7 =	ssub.s32 $0x2, s7  }
0xb: {  	s14 =	simm.s32 $0x4080;
	s4 =	smul.u32 $0x56, s3;
	s13 =	sshrl.u32 s7, $0x1  }
0xc: {  	s28 =	sshll.u32 s3, $0x7;
	s7 =	ssub.s32 s7, s13;
	s13 =	simm.s32 $0x2000  }
0xd: {  	s8 =	sshrl.u32 s4, $0x8;
	s4 =	sand.u32 $0x380, s28;
	s7 =	smax.u32 s7, $0x1  }
0xe: {  	s9 =	smul.u32 $0x3, s8;
	s4 =	sor.u32 s5, s4;
	s11 =	sshrl.u32 s8, $0x3  }
0xf: {  	s12 =	sshll.u32 s8, $0x7;
	s4 =	sshrl.u32 s4, $0x3;
	s31 =	smul.u32 $0x7B0000, s11  }
0x10: {  	s12 =	sand.u32 $0x380, s12;
	s11 =	sshll.u32 s11, $0xA;
	s29 =	ssub.s32 s3, s9  }
0x11: {  	v3 =	vimm.s32 $0x7;
	s3 =	sadd.s32 $0x416000, s6;
	s30 =	sadd.s32 s4, s6;
	s11 =	sor.u32 s12, s11  }
0x12: {  	s5 =	sand.u32 $0xFF, s29;
	s9 =	sor.u32 s12, s31;
	s11 =	sshrl.u32 s11, $0x3  }
0x13: {  	v1 =	vimm.s32 $0xF;
	v2 =	vimm.f32 $0.0e+00;
	s12 =	simm.s32 $0x400;
	s4 =	smul.u32 $0x52000, s5;
	s5 =	sadd.s32 $0x200, s30  }
0x14: {  	v4 =	vimm.s32 $0x0;
	v5 =	vlaneseq.u32;
	v6 =	vimm.f32 $1.000000000e+00;
	s9 =	sshrl.u32 s9, $0x3;
	s6 =	sadd.s32 s6, s11;
	s11 =	simm.s32 $0x80  }
0x15: {  	v7 =	vor.u32 $0x10, v5;
	v8 =	vor.u32 $0x20, v5;
	v0 =	vmov s8;
	s8 =	sadd.s32 s10, s9;
	s9 =	simm.s32 $0x4000;
	s10 =	simm.s32 $0x1  }
.LBB2_2:
0x16: {  	s15 =	simm.s32 $0x0  }
0x17: {  	[tilespmem:s9], [sflag:$0x1] =	stream.linear.gather [hbm4b:s6+s15], $0x80, $0x38;
	[tilespmem:$0x4680] =	vst v63  }
0x18: {  	_ =	swait.ge [sflag:s10], $0x80  }
0x19: {  	[sflag:s10] =	ssyncset.done $0x0  }
0x1a: {  	[sflag:s10] =	ssyncadd.s32 $0xFFFFFF80  }
0x1b: {  	s16 =	simm.s32 $0x40;
	s17 =	simm.s32 $0x0;
	v9 =	vld.idx.msk [tilespmem:v1+s9+$0x0], $0xffff  }
.LBB2_3:
0x1c: {  	p0 =	sne.s32 s16, $0x17C0;
	[tilespmem:s17+$0x4080] =	vst v2;
	s17 =	smov.u32 s16;
	s16 =	sadd.s32 $0x40, s16  }
.Ltmp1:
0x1d: {  	(pc) =	sbr.rel @p0 .LBB2_3-.Ltmp1, $2  }
0x1e: {  	_ =	sdelay $0x2  }
0x1f: {  	s17 =	sshra.s32 s17, $0x2  }
0x20: {  	[tilespmem:s17+$0x4080] =	vst v2  }
.LBB2_5:
0x21: {  	s16 =	sshll.u32 s15, $0xD  }
0x22: {  	s17 =	sadd.s32 s4, s16  }
0x23: {  	s16 =	simm.s32 $0x0;
	s18 =	sadd.s32 s8, s17  }
0x24: {  	[tilespmem:s16], [sflag:$0x1] =	stream.strided.gather [hbm4b:s18+s11], $0x2000, s12, s11, $0x38;
	[tilespmem:$0x4680] =	vst v63  }
0x25: {  	_ =	swait.ge [sflag:s10], $0x2000  }
0x26: {  	s17 =	sshrl.u32 s17, $0x3;
	[sflag:s10] =	ssyncset.done $0x0  }
0x27: {  	s17 =	sadd.s32 s3, s17;
	[sflag:s10] =	ssyncadd.s32 $0xFFFFE000  }
0x28: {  	[tilespmem:s13], [sflag:$0x1] =	stream.linear.gather [hbm4b:s17+s16], $0x2000, $0x38;
	[tilespmem:$0x4680] =	vst v63  }
0x29: {  	_ =	swait.ge [sflag:s10], $0x2000  }
0x2a: {  	[sflag:s10] =	ssyncset.done $0x0  }
0x2b: {  	[sflag:s10] =	ssyncadd.s32 $0xFFFFE000  }
.LBB2_6:
0x2c: {  	s17 =	sshra.s32 s16, $0x2;
	v11 =	vld.idx.msk [tilespmem:v3+s9+$0x0], $0xffff  }
0x2d: {  	v10 =	vld [tilespmem:s17+$0x0];
	_ =	sdelay $0x4  }
0x2e: {  	vm0 =	vlt.f32 v11, v10  }
0x2f: {  	v11 =	vsel vm0, $0x8, v4  }
0x30: {  	v12 =	vor.u32 $0x3, v11;
	_ =	sdelay $0x4  }
0x31: {  	v12 =	vld.idx.msk [tilespmem:v12+s9+$0x0], $0xffff;
	_ =	sdelay $0x4  }
0x32: {  	v13 =	vor.u32 $0x4, v11;
	vm11 =	vlt.f32 v12, v10  }
0x33: {  	v11 =	vsel vm11, v13, v11  }
0x34: {  	v57 =	vor.u32 $0x1, v11;
	_ =	sdelay $0x4  }
0x35: {  	v12 =	vld.idx.msk [tilespmem:v57+s9+$0x0], $0xffff;
	_ =	sdelay $0x4  }
0x36: {  	v13 =	vor.u32 $0x2, v11;
	vm12 =	vlt.f32 v12, v10  }
0x37: {  	v11 =	vsel vm12, v13, v11;
	_ =	sdelay $0x4  }
0x38: {  	v58 =	vld.idx.msk [tilespmem:v11+s9+$0x0], $0xffff;
	_ =	sdelay $0x1  }
0x39: {  	v59 =	vld [tilespmem:s17+$0x2000];
	_ =	sdelay $0x2  }
0x3a: {  	vm13 =	vlt.f32 v58, v10  }
0x3b: {  	v12 =	vsel vm13, $0x1, v4  }
0x3c: {  	vm14 =	veq.s32 v59, v0;
	v11 =	vor.u32 v12, v11  }
0x3d: {  	v60 =	vsel vm14, $0x1, v4;
	v11 =	vshll.u32 v11, $0x1  }
0x3e: {  	v11 =	vor.u32 v60, v11  }
0x3f: {  	v11 =	vmul.u32 $0x30, v11  }
0x40: {  	vm15 =	vle.f32 v10, v9  }
0x41: {  	v61 =	vor.u32 v5, v11  }
0x42: {  	v62 =	vadd.s32 v7, v11  }
0x43: {  	p0 =	sne.s32 s16, $0x7FC0;
	v11 =	vadd.s32 v8, v11  }
.Ltmp2:
0x44: {  	_ = 	snop;
	(pc) =	sbr.rel @p0 .LBB2_6-.Ltmp2, $4  }
0x45: {  	_ = 	snop  }
0x46: {  	v63 =	vmul.f32 v10, v10;
	[tilespmem:v61+s14+$0x0] =	vst.idx.add.f32.msk vm15, v6  }
0x47: {  	[tilespmem:v62+s14+$0x0] =	vst.idx.add.f32.msk vm15, v10  }
0x48: {  	s16 =	sadd.s32 $0x40, s16;
	[tilespmem:v11+s14+$0x0] =	vst.idx.add.f32.msk vm15, v63  }
0x49: {  	s15 =	sadd.s32 $0x1, s15  }
0x4a: {  	p0 =	sne.s32 s15, $0x29  }
.Ltmp3:
0x4b: {  	_ = 	snop;
	(pc) =	sbr.rel @p0 .LBB2_5-.Ltmp3, $1  }
0x4c: {  	_ =	sdelay $0x3  }
0x4d: {  	s2 =	sadd.s32 $0x1, s2  }
0x4e: {  	p0 =	sne.s32 s2, s7  }
.Ltmp4:
0x4f: {  	_ = 	snop;
	(pc) =	sbr.rel @p0 .LBB2_2-.Ltmp4, $4  }
0x50: {  	[hbm4b:s5+s11] =	stream.strided.scatter [tilespmem:s14], [sflag:$0x1], $0x600, s12, s11, $0x38;
	[tilespmem:$0x4680] =	vst v63  }
0x51: {  	_ =	swait.ge [sflag:s10], $0x600  }
0x52: {  	[sflag:s10] =	ssyncset.done $0x0  }
0x53: {  	[sflag:s10] =	ssyncadd.s32 $0xFFFFFA00  }
.LBB2_9:
0x54: {  	_ =	sfence.sel $0x180000  }
0x55: {  	[bflag:$0x0] =	sbarrier.arrive $0xFFFF  }
0x56: {  	p0 =	sne.s32 s1, $0x0;
	_ =	strace $0x9000004D  }
0x57: {  	s0 =	sadd.s32 @!p0 $0x100000, s0;
	[bflag:$0x2] =	sbarrier.arrive $0xFFFF  }
0x58: {  	[sflag:s0] =	ssyncadd.tile.s32 @!p0 $0x1;
	_ =	shalt  }
.Lfunc_end2:
_tile_overlayer_lowered:
.L_overlay_start_2:
0x59: {  	(tag) =	ssettag $0x2  }
0x5a: {  	s0 =	rddreg [dreg:$0x0];
	s2 =	stileid.u32  }
0x5b: {  	s1 =	rddreg [dreg:$0x1];
	p0 =	sne.s32 s2, $0x0  }
0x5c: {  	s3 =	rddreg [dreg:$0x2];
	[bflag:$0x3] =	sbarrier.arrive $0xFFFF;
	s2 =	simm.s32 @!p0 $0x1C01  }
0x5d: {  	[timem:s3], [sflag:s2] =	dma.local @!p0 [hbm:s0], s1  }
0x5e: {  	s0 =	simm.s32 @!p0 $0x1  }
0x5f: {  	_ =	swait.ge @!p0 [sflag:s0], s1  }
0x60: {  	s1 =	ssub.s32 @!p0 $0x0, s1;
	[sflag:s0] =	ssyncset.done @!p0 $0x0  }
0x61: {  	[sflag:s0] =	ssyncadd.s32 @!p0 s1  }
0x62: {  	[bflag:$0x3] =	sbarrier.arrive $0xFFFF  }
0x63: {  	_ =	shalt  }

// kernel: kernel.6.cloned.1.call-start
scs
__scs_entry_jumppad:
0x0: {  	(pc) =	sbr.rel $0x88, $3  }
0x1: {  	(tag) =	ssettag $0x0;
	lr =	simm.s32 $0x1  }
0x2: {  	[smem:$0x3F9F] =	sst lr;
	_ =	strace $0xD0000000  }
0x3: {  	_ = 	snop  }
0x4: {  	_ = 	snop  }
0x5: {  	_ = 	snop  }
0x6: {  	_ = 	snop  }
0x7: {  	_ = 	snop  }
__scs_overlays_trampoline_lowered:
0x8: {  	[smem:$0x3FAE] =	sst s0  }
0x9: {  	[smem:$0x3FAF] =	sst s1  }
0xa: {  	[smem:$0x3FB0] =	sst s2  }
0xb: {  	[smem:$0x3FB1] =	sst s3  }
0xc: {  	[smem:$0x3FB2] =	sst s4  }
0xd: {  	[smem:$0x3FB3] =	sst s5  }
0xe: {  	[smem:$0x3FB4] =	sst s6  }
0xf: {  	[smem:$0x3FB5] =	sst s7  }
0x10: {  	[smem:$0x3FB6] =	sst s8  }
0x11: {  	[smem:$0x3FB7] =	sst s9;
	s0 =	simm.s32 @!p0 $0x0  }
0x12: {  	s1 =	sld [smem:$0x3F9D];
	s0 =	simm.s32 @p0 $0x1  }
0x13: {  	[smem:$0x3FB8] =	sst s0;
	s0 =	simm.s32 @!p1 $0x0  }
0x14: {  	s2 =	sld [smem:$0x3F9C];
	s0 =	simm.s32 @p1 $0x1  }
0x15: {  	[smem:$0x3FB9] =	sst s0;
	s0 =	simm.s32 @!p2 $0x0  }
0x16: {  	s3 =	sld [smem:$0x3FDB];
	s0 =	simm.s32 @p2 $0x1  }
0x17: {  	s4 =	simm.s32 $0x1BF5;
	[smem:$0x3FBB] =	sst s0  }
0x18: {  	s0 =	sld [smem:$0x3F9E];
	_ =	swait.ge [sflag:s4], $0x0  }
0x19: {  	s7 =	sld [smem:$0x3F9F]  }
0x1a: {  	s8 =	sadd.s32 $0xFFFFE003, lr  }
0x1b: {  	s9 =	sadd.s32 $0xFFFFFEF7, lr;
	s5 =	simm.s32 $0xFFFFFFFF;
	p2 =	slt.u32 s8, $0xFFFFF086  }
0x1c: {  	p1 =	slt.u32 s9, $0xF7A;
	s5 =	simm.s32 @!p2 $0x0  }
0x1d: {  	s5 =	simm.s32 @p1 $0x1;
	p0 =	seq.s32 s7, s2  }
0x1e: {  	s7 =	smul.u32 @!p0 $0xF7A, s2;
	p2 =	seq.s32 @!p0 s5, $0x0  }
0x1f: {  	s9 =	smul.u32 $0xF7A, s1;
	s8 =	simm.s32 @!p0 $0x1BF5;
	p2 =	por !p2, p0  }
0x20: {  	[sflag:s8] =	ssyncset.s32 @!p0 $0xFFFFF086;
	s6 =	sadd.s32 @!p0 s3, s7;
	s7 =	simm.s32 @!p0 $0x108  }
0x21: {  	s3 =	sadd.s32 s3, s9;
	s6 =	sadd.s32 @!p0 $0x88, s6;
	s7 =	simm.s32 @p2 $0x1082  }
0x22: {  	[simem:s7], [sflag:s8] =	dma.local @!p0 [hbm:s6], $0xF7A  }
0x23: {  	s9 =	sor.u32 $0xD0000000, s2;
	s6 =	simm.s32 $0x108;
	_ =	swait.ge @!p0 [sflag:s8], $0x0  }
0x24: {  	s3 =	sadd.s32 $0x88, s3;
	s6 =	simm.s32 @!p1 $0x1082;
	[sflag:s4] =	ssyncset.s32 $0xFFFFF086  }
0x25: {  	[simem:s6], [sflag:s4] =	dma.local [hbm:s3], $0xF7A  }
0x26: {  	[smem:$0x3F9F] =	sst s1;
	(tag) =	ssettag s2;
	_ =	strace s9  }
0x27: {  	s1 =	sld [smem:$0x3FAF]  }
0x28: {  	s2 =	sld [smem:$0x3FB0]  }
0x29: {  	s4 =	sld [smem:$0x3FB2]  }
0x2a: {  	p0 =	seq.s32 s5, $0x0;
	s5 =	sld [smem:$0x3FB3]  }
0x2b: {  	s6 =	sld [smem:$0x3FB4]  }
0x2c: {  	s7 =	sld [smem:$0x3FB5]  }
0x2d: {  	s3 =	simm.s32 $0x108;
	s8 =	sld [smem:$0x3FB6]  }
0x2e: {  	s3 =	simm.s32 @!p0 $0x1082;
	s9 =	sld [smem:$0x3FB7]  }
0x2f: {  	lr =	sadd.s32 s0, s3;
	s0 =	sld [smem:$0x3FAE]  }
0x30: {  	s3 =	sld [smem:$0x3FB1]  }
0x31: {  	[smem:$0x3FBA] =	sst s10  }
0x32: {  	s10 =	sld [smem:$0x3FB8];
	_ =	sdelay $0x3  }
0x33: {  	p0 =	seq.s32 s10, $0x1;
	s10 =	sld [smem:$0x3FBA];
	_ =	sdelay $0x3  }
0x34: {  	[smem:$0x3FBA] =	sst s10  }
0x35: {  	s10 =	sld [smem:$0x3FB9];
	_ =	sdelay $0x3  }
0x36: {  	p1 =	seq.s32 s10, $0x1;
	s10 =	sld [smem:$0x3FBA];
	_ =	sdelay $0x3  }
0x37: {  	[smem:$0x3FBA] =	sst s10  }
0x38: {  	s10 =	sld [smem:$0x3FBB]  }
0x39: {  	_ = 	snop;
	(pc) =	sbr.ind lr, $3  }
0x3a: {  	_ = 	snop  }
0x3b: {  	_ = 	snop  }
0x3c: {  	p2 =	seq.s32 s10, $0x1;
	s10 =	sld [smem:$0x3FBA]  }
0x3d: {  	_ =	shalt  }
0x3e: {  	_ =	shalt  }
0x3f: {  	_ =	shalt  }
0x40: {  	_ =	shalt  }
0x41: {  	_ =	shalt  }
0x42: {  	_ =	shalt  }
0x43: {  	_ =	shalt  }
0x44: {  	_ =	shalt  }
0x45: {  	_ =	shalt  }
0x46: {  	_ =	shalt  }
0x47: {  	_ =	shalt  }
0x48: {  	_ =	shalt  }
0x49: {  	_ =	shalt  }
0x4a: {  	_ =	shalt  }
0x4b: {  	_ =	shalt  }
0x4c: {  	_ =	shalt  }
0x4d: {  	_ =	shalt  }
0x4e: {  	_ =	shalt  }
0x4f: {  	_ =	shalt  }
0x50: {  	_ =	shalt  }
0x51: {  	_ =	shalt  }
0x52: {  	_ =	shalt  }
0x53: {  	_ =	shalt  }
0x54: {  	_ =	shalt  }
0x55: {  	_ =	shalt  }
0x56: {  	_ =	shalt  }
0x57: {  	_ =	shalt  }
0x58: {  	_ =	shalt  }
0x59: {  	_ =	shalt  }
0x5a: {  	_ =	shalt  }
0x5b: {  	_ =	shalt  }
0x5c: {  	_ =	shalt  }
0x5d: {  	_ =	shalt  }
0x5e: {  	_ =	shalt  }
0x5f: {  	_ =	shalt  }
0x60: {  	_ =	shalt  }
0x61: {  	_ =	shalt  }
0x62: {  	_ =	shalt  }
0x63: {  	_ =	shalt  }
0x64: {  	_ =	shalt  }
0x65: {  	_ =	shalt  }
0x66: {  	_ =	shalt  }
0x67: {  	_ =	shalt  }
0x68: {  	_ =	shalt  }
0x69: {  	_ =	shalt  }
0x6a: {  	_ =	shalt  }
0x6b: {  	_ =	shalt  }
0x6c: {  	_ =	shalt  }
0x6d: {  	_ =	shalt  }
0x6e: {  	_ =	shalt  }
0x6f: {  	_ =	shalt  }
0x70: {  	_ =	shalt  }
0x71: {  	_ =	shalt  }
0x72: {  	_ =	shalt  }
0x73: {  	_ =	shalt  }
0x74: {  	_ =	shalt  }
0x75: {  	_ =	shalt  }
0x76: {  	_ =	shalt  }
0x77: {  	_ =	shalt  }
0x78: {  	_ =	shalt  }
0x79: {  	_ =	shalt  }
0x7a: {  	_ =	shalt  }
0x7b: {  	_ =	shalt  }
0x7c: {  	_ =	shalt  }
0x7d: {  	_ =	shalt  }
0x7e: {  	_ =	shalt  }
0x7f: {  	_ =	shalt  }
0x80: {  	_ =	shalt  }
0x81: {  	_ =	shalt  }
0x82: {  	_ =	shalt  }
0x83: {  	_ =	shalt  }
0x84: {  	_ =	shalt  }
0x85: {  	_ =	shalt  }
0x86: {  	_ =	shalt  }
0x87: {  	_ =	shalt  }
.Lfunc_end0:
.L_simem_size_0:
called_computation_lowered:
.L_overlay_start_0:
0x88: {  	s2 =	sld [smem:$0x3FD9]  }
0x89: {  	s3 =	sld [smem:$0x3FFE];
	_ =	sdelay $0x1  }
0x8a: {  	s1 =	srdreg.scid  }
0x8b: {  	s0 =	sand.u32 $0x1, s1  }
0x8c: {  	s16 =	sshll.u32 s0, $0xA;
	s2 =	sadd.s32 s3, s2  }
0x8d: {  	s2 =	sadd.s32 s2, s16  }
0x8e: {  	[smem:$0x3FC6] =	sst s2  }
0x8f: {  	_ = 	snop  }
0x90: {  	(tm) =	ssettm $0x1  }
0x91: {  	s17 =	sld [smem:$0x3FFB];
	_ =	sdelay $0x3  }
0x92: {  	_ =	strace s17  }
0x93: {  	s2 =	sld [smem:$0x3FFC];
	_ =	sdelay $0x3  }
0x94: {  	_ =	strace s2  }
0x95: {  	s2 =	sld [smem:$0x3FFD];
	_ =	sdelay $0x3  }
0x96: {  	_ =	strace s2  }
0x97: {  	_ =	strace $0x8FFFFFFF  }
0x98: {  	s18 =	sld [smem:$0x3FDB];
	_ =	sdelay $0x1  }
0x99: {  	s19 =	simm.s32 $_scs_section_size  }
0x9a: {  	s4 =	simm.s32 $_size__tile_overlayer_lowered;
	s5 =	simm.s32 $_tile_overlayer_lowered  }
0x9b: {  	s22 =	simm.s32 $0x1BFF;
	s21 =	sshll.u32 s5, $0x1;
	s2 =	sadd.s32 s19, s18  }
0x9c: {  	s6 =	simm.s32 $0x0;
	s20 =	sshll.u32 s4, $0x1;
	s4 =	sadd.s32 s21, s2  }
0x9d: {  	[timem:s6], [sflag:s22] =	dma.local [hbm:s4], s20  }
0x9e: {  	_ =	swait.ge [sflag:s22], s20  }
0x9f: {  	s3 =	ssub.s32 $0x0, s20;
	[sflag:s22] =	ssyncset.done $0x0  }
0xa0: {  	[sflag:s22] =	ssyncadd.s32 s3;
	_ =	sdelay $0x1  }
0xa1: {  	s23 =	simm.s32 $0x1B8B  }
0xa2: {  	_ =	swait.ge [sflag:s23], $0x1  }
0xa3: {  	[sflag:s23] =	ssyncset.done $0x0  }
0xa4: {  	s25 =	simm.s32 $0x1B8E;
	s24 =	sld [smem:$0x3FFE];
	[sflag:s23] =	ssyncadd.s32 $0xFFFFFFFF  }
0xa5: {  	s26 =	simm.s32 $execute0_lowered;
	[smem:$0x3FD2] =	sst s25  }
0xa6: {  	s4 =	sshll.u32 s26, $0x1;
	_ =	strace $0x80000046;
	[dreg:$0x1] =	wrdreg $0xFFFFFFFF  }
0xa7: {  	s28 =	simm.s32 $_size_execute0_lowered;
	s2 =	sadd.s32 s2, s4;
	[dreg:$0x0] =	wrdreg $0x0  }
0xa8: {  	s4 =	sshll.u32 s28, $0x1;
	[dreg:$0x2] =	wrdreg s2  }
0xa9: {  	[dreg:$0x3] =	wrdreg s4  }
0xaa: {  	[dreg:$0x4] =	wrdreg $0xC0  }
0xab: {  	_ =	task [dreg:s6], $0x5FFFF  }
0xac: {  	[dreg:$0x1] =	wrdreg $0xFFFFFFFF  }
0xad: {  	[dreg:$0x0] =	wrdreg $0x60  }
0xae: {  	[dreg:$0x2] =	wrdreg s24  }
0xaf: {  	[dreg:$0x3] =	wrdreg $0x9  }
0xb0: {  	_ =	task.clear_ibuf [dreg:s6], $0x4FFFF;
	_ =	strace $0x90000046  }
0xb1: {  	s29 =	simm.s32 $0x9;
	_ =	strace $0x80000048  }
0xb2: {  	_ =	swait.ge [sflag:s29], $0x1  }
0xb3: {  	[sflag:s29] =	ssyncadd.s32 $0xFFFFFFFF  }
0xb4: {  	_ =	strace $0x90000048  }
0xb5: {  	_ =	sfence  }
0xb6: {  	s30 =	sld [smem:$0x0];
	_ =	sdelay $0x2  }
0xb7: {  	s31 =	sshll.u32 s1, $0xD;
	s1 =	sshrl.u32 s1, $0x2  }
0xb8: {  	s3 =	sand.u32 $0x4000, s31;
	s1 =	sadd.s32 s1, s30  }
0xb9: {  	s0 =	sor.u32 s3, s0;
	s1 =	sshll.u32 s1, $0x11  }
0xba: {  	s0 =	sor.u32 s1, s0  }
0xbb: {  	s0 =	sadd.s32 $0x8F2B, s0  }
0xbc: {  	[sflag:s0] =	ssyncadd.remote.s32 $0x1  }
0xbd: {  	_ =	sfence.sel $0xFFFF  }
0xbe: {  	[dreg:$0x0] =	wrdreg $0xFFFFFFFF;
	(pc) =	sbr.abs _section_cstart, $3  }
0xbf: {  	[dreg:$0x1] =	wrdreg $0xFFFFFFFF  }
0xc0: {  	_ =	task.clear_ibuf [dreg:s6], $0x2FFFF;
	_ =	strace $0x9FFFFFFF  }
0xc1: {  	(tm) =	ssettm $0x7FFFFFFF  }
tec
execute0_lowered:
.L_overlay_start_1:
0x0: {  	(tag) =	ssettag $0x1  }
0x1: {  	s1 =	stileid.u32  }
0x2: {  	p0 =	seq.s32 s1, $0xF  }
.Ltmp0:
0x3: {  	_ = 	snop;
	(pc) =	sbr.rel @p0 .LBB2_9-.Ltmp0, $4  }
0x4: {  	_ = 	snop  }
0x5: {  	s2 =	rddreg [dreg:$0x0];
	s3 =	simm.s32 $0x0  }
0x6: {  	[smem:$0x7FF] =	sst s3  }
0x7: {  	s0 =	rddreg [dreg:$0x1];
	_ =	strace $0x80000047  }
0x8: {  	s4 =	srdreg.scid  }
0x9: {  	s5 =	sshll.u32 s1, $0x1;
	s4 =	sand.u32 $0x1, s4  }
0xa: {  	s5 =	sor.u32 s4, s5  }
0xb: {  	s6 =	smul.u32 $0x56, s5;
	_ =	sdelay $0x1  }
0xc: {  	s9 =	sshll.u32 s1, $0xE;
	s7 =	sshrl.u32 s6, $0x8  }
0xd: {  	s9 =	sand.u32 $0x30000, s9;
	s29 =	ssub.s32 $0x2, s4;
	s7 =	smul.u32 $0x3, s7  }
0xe: {  	s9 =	sadd.s32 s9, s2;
	s31 =	sshrl.u32 s29, $0x1;
	s8 =	sshrl.u32 s6, $0xB  }
0xf: {  	s6 =	sshrl.u32 s6, $0x1;
	s8 =	smul.u32 $0x7B0000, s8;
	s7 =	ssub.s32 s5, s7  }
0x10: {  	s30 =	sand.u32 $0x380, s6;
	s5 =	sshll.u32 s5, $0x4;
	s7 =	sand.u32 $0xFF, s7  }
0x11: {  	s6 =	ssub.s32 s29, s31;
	s5 =	sand.u32 $0x70, s5;
	s7 =	smul.u32 $0x290000, s7  }
0x12: {  	s10 =	simm.s32 $0x2000;
	s6 =	smax.u32 s6, $0x1;
	s5 =	sadd.s32 s5, s9  }
0x13: {  	s9 =	simm.s32 $0x1;
	s5 =	sadd.s32 $0x1EC000, s5;
	s7 =	sadd.s32 s7, s8  }
0x14: {  	v0 =	vimm.s32 $0x0;
	v1 =	vlaneseq.u32;
	v2 =	vimm.s32 $0x1;
	s8 =	simm.s32 $0x400;
	s4 =	sor.u32 s30, s7;
	s7 =	simm.s32 $0x80  }
.LBB2_2:
0x15: {  	s11 =	simm.s32 $0x0;
	s12 =	simm.s32 $0x40;
	s13 =	simm.s32 $0x0  }
.LBB2_3:
0x16: {  	p0 =	sne.s32 s12, $0x3FFC0;
	[tilespmem:s13+$0x2000] =	vst v0;
	s13 =	smov.u32 s12;
	s12 =	sadd.s32 $0x40, s12  }
.Ltmp1:
0x17: {  	(pc) =	sbr.rel @p0 .LBB2_3-.Ltmp1, $2  }
0x18: {  	_ =	sdelay $0x2  }
0x19: {  	s13 =	sshra.s32 s13, $0x2  }
0x1a: {  	[tilespmem:s13+$0x2000] =	vst v0  }
.LBB2_5:
0x1b: {  	s12 =	sshll.u32 s11, $0x10  }
0x1c: {  	s12 =	sadd.s32 s12, s4  }
0x1d: {  	s12 =	sshrl.u32 s12, $0x3  }
0x1e: {  	s13 =	simm.s32 $0x0;
	s12 =	sadd.s32 s2, s12  }
0x1f: {  	[tilespmem:s13], [sflag:$0x1] =	stream.strided.gather [hbm4b:s12+s7], $0x2000, s8, s7, $0x38;
	[tilespmem:$0x12000] =	vst v63  }
0x20: {  	_ =	swait.ge [sflag:s9], $0x2000  }
0x21: {  	[sflag:s9] =	ssyncset.done $0x0  }
0x22: {  	s13 =	simm.s32 $0x0;
	s12 =	simm.s32 $0x40;
	[sflag:s9] =	ssyncadd.s32 $0xFFFFE000  }
.LBB2_6:
0x23: {  	p0 =	sne.s32 s12, $0x7FC0;
	v3 =	vld [tilespmem:s13+$0x0];
	_ =	sdelay $0x4  }
0x24: {  	v3 =	vshrl.u32 v3, $0x12  }
0x25: {  	v3 =	vmin.u32 v3, $0xFFF  }
0x26: {  	v3 =	vshll.u32 v3, $0x4  }
0x27: {  	v3 =	vor.u32 v1, v3  }
.Ltmp2:
0x28: {  	(pc) =	sbr.rel @p0 .LBB2_6-.Ltmp2, $2  }
0x29: {  	_ =	sdelay $0x2  }
0x2a: {  	s13 =	sshra.s32 s12, $0x2;
	s12 =	sadd.s32 $0x40, s12;
	[tilespmem:v3+s10+$0x0] =	vst.idx.add.s32.msk $0xffff, v2  }
0x2b: {  	v3 =	vld [tilespmem:s13+$0x0];
	_ =	sdelay $0x4  }
0x2c: {  	v3 =	vshrl.u32 v3, $0x12  }
0x2d: {  	v3 =	vmin.u32 v3, $0xFFF  }
0x2e: {  	s11 =	sadd.s32 $0x1, s11;
	v3 =	vshll.u32 v3, $0x4  }
0x2f: {  	p0 =	sne.s32 s11, $0x29;
	v3 =	vor.u32 v1, v3  }
.Ltmp3:
0x30: {  	_ = 	snop;
	(pc) =	sbr.rel @p0 .LBB2_5-.Ltmp3, $2  }
0x31: {  	_ =	sdelay $0x2  }
0x32: {  	[tilespmem:v3+s10+$0x0] =	vst.idx.add.s32.msk $0xffff, v2  }
0x33: {  	s3 =	sadd.s32 $0x1, s3  }
0x34: {  	p0 =	sne.s32 s3, s6  }
.Ltmp4:
0x35: {  	_ = 	snop;
	(pc) =	sbr.rel @p0 .LBB2_2-.Ltmp4, $4  }
0x36: {  	[hbm4b:s5+s7] =	stream.strided.scatter [tilespmem:s10], [sflag:$0x1], $0x10000, s8, s7, $0x38;
	[tilespmem:$0x12000] =	vst v63  }
0x37: {  	_ =	swait.ge [sflag:s9], $0x10000  }
0x38: {  	[sflag:s9] =	ssyncset.done $0x0  }
0x39: {  	[sflag:s9] =	ssyncadd.s32 $0xFFFF0000  }
.LBB2_9:
0x3a: {  	_ =	sfence.sel $0x180000  }
0x3b: {  	[bflag:$0x0] =	sbarrier.arrive $0xFFFF  }
0x3c: {  	p0 =	sne.s32 s1, $0x0;
	_ =	strace $0x90000047  }
0x3d: {  	s0 =	sadd.s32 @!p0 $0x100000, s0;
	[bflag:$0x2] =	sbarrier.arrive $0xFFFF  }
0x3e: {  	[sflag:s0] =	ssyncadd.tile.s32 @!p0 $0x1;
	_ =	shalt  }
.Lfunc_end2:
_tile_overlayer_lowered:
.L_overlay_start_2:
0x3f: {  	(tag) =	ssettag $0x2  }
0x40: {  	s0 =	rddreg [dreg:$0x0];
	s2 =	stileid.u32  }
0x41: {  	s1 =	rddreg [dreg:$0x1];
	p0 =	sne.s32 s2, $0x0  }
0x42: {  	s3 =	rddreg [dreg:$0x2];
	[bflag:$0x3] =	sbarrier.arrive $0xFFFF;
	s2 =	simm.s32 @!p0 $0x1C01  }
0x43: {  	[timem:s3], [sflag:s2] =	dma.local @!p0 [hbm:s0], s1  }
0x44: {  	s0 =	simm.s32 @!p0 $0x1  }
0x45: {  	_ =	swait.ge @!p0 [sflag:s0], s1  }
0x46: {  	s1 =	ssub.s32 @!p0 $0x0, s1;
	[sflag:s0] =	ssyncset.done @!p0 $0x0  }
0x47: {  	[sflag:s0] =	ssyncadd.s32 @!p0 s1  }
0x48: {  	[bflag:$0x3] =	sbarrier.arrive $0xFFFF  }
0x49: {  	_ =	shalt  }

// kernel: kernel.9.cloned.1.call-start
scs
__scs_entry_jumppad:
0x0: {  	(pc) =	sbr.rel $0x88, $3  }
0x1: {  	(tag) =	ssettag $0x0;
	lr =	simm.s32 $0x1  }
0x2: {  	[smem:$0x3F9F] =	sst lr;
	_ =	strace $0xD0000000  }
0x3: {  	_ = 	snop  }
0x4: {  	_ = 	snop  }
0x5: {  	_ = 	snop  }
0x6: {  	_ = 	snop  }
0x7: {  	_ = 	snop  }
__scs_overlays_trampoline_lowered:
0x8: {  	[smem:$0x3FAE] =	sst s0  }
0x9: {  	[smem:$0x3FAF] =	sst s1  }
0xa: {  	[smem:$0x3FB0] =	sst s2  }
0xb: {  	[smem:$0x3FB1] =	sst s3  }
0xc: {  	[smem:$0x3FB2] =	sst s4  }
0xd: {  	[smem:$0x3FB3] =	sst s5  }
0xe: {  	[smem:$0x3FB4] =	sst s6  }
0xf: {  	[smem:$0x3FB5] =	sst s7  }
0x10: {  	[smem:$0x3FB6] =	sst s8  }
0x11: {  	[smem:$0x3FB7] =	sst s9;
	s0 =	simm.s32 @!p0 $0x0  }
0x12: {  	s1 =	sld [smem:$0x3F9D];
	s0 =	simm.s32 @p0 $0x1  }
0x13: {  	[smem:$0x3FB8] =	sst s0;
	s0 =	simm.s32 @!p1 $0x0  }
0x14: {  	s2 =	sld [smem:$0x3F9C];
	s0 =	simm.s32 @p1 $0x1  }
0x15: {  	[smem:$0x3FB9] =	sst s0;
	s0 =	simm.s32 @!p2 $0x0  }
0x16: {  	s3 =	sld [smem:$0x3FDB];
	s0 =	simm.s32 @p2 $0x1  }
0x17: {  	s4 =	simm.s32 $0x1BF5;
	[smem:$0x3FBB] =	sst s0  }
0x18: {  	s0 =	sld [smem:$0x3F9E];
	_ =	swait.ge [sflag:s4], $0x0  }
0x19: {  	s7 =	sld [smem:$0x3F9F]  }
0x1a: {  	s8 =	sadd.s32 $0xFFFFE003, lr  }
0x1b: {  	s9 =	sadd.s32 $0xFFFFFEF7, lr;
	s5 =	simm.s32 $0xFFFFFFFF;
	p2 =	slt.u32 s8, $0xFFFFF086  }
0x1c: {  	p1 =	slt.u32 s9, $0xF7A;
	s5 =	simm.s32 @!p2 $0x0  }
0x1d: {  	s5 =	simm.s32 @p1 $0x1;
	p0 =	seq.s32 s7, s2  }
0x1e: {  	s7 =	smul.u32 @!p0 $0xF7A, s2;
	p2 =	seq.s32 @!p0 s5, $0x0  }
0x1f: {  	s9 =	smul.u32 $0xF7A, s1;
	s8 =	simm.s32 @!p0 $0x1BF5;
	p2 =	por !p2, p0  }
0x20: {  	[sflag:s8] =	ssyncset.s32 @!p0 $0xFFFFF086;
	s6 =	sadd.s32 @!p0 s3, s7;
	s7 =	simm.s32 @!p0 $0x108  }
0x21: {  	s3 =	sadd.s32 s3, s9;
	s6 =	sadd.s32 @!p0 $0x88, s6;
	s7 =	simm.s32 @p2 $0x1082  }
0x22: {  	[simem:s7], [sflag:s8] =	dma.local @!p0 [hbm:s6], $0xF7A  }
0x23: {  	s9 =	sor.u32 $0xD0000000, s2;
	s6 =	simm.s32 $0x108;
	_ =	swait.ge @!p0 [sflag:s8], $0x0  }
0x24: {  	s3 =	sadd.s32 $0x88, s3;
	s6 =	simm.s32 @!p1 $0x1082;
	[sflag:s4] =	ssyncset.s32 $0xFFFFF086  }
0x25: {  	[simem:s6], [sflag:s4] =	dma.local [hbm:s3], $0xF7A  }
0x26: {  	[smem:$0x3F9F] =	sst s1;
	(tag) =	ssettag s2;
	_ =	strace s9  }
0x27: {  	s1 =	sld [smem:$0x3FAF]  }
0x28: {  	s2 =	sld [smem:$0x3FB0]  }
0x29: {  	s4 =	sld [smem:$0x3FB2]  }
0x2a: {  	p0 =	seq.s32 s5, $0x0;
	s5 =	sld [smem:$0x3FB3]  }
0x2b: {  	s6 =	sld [smem:$0x3FB4]  }
0x2c: {  	s7 =	sld [smem:$0x3FB5]  }
0x2d: {  	s3 =	simm.s32 $0x108;
	s8 =	sld [smem:$0x3FB6]  }
0x2e: {  	s3 =	simm.s32 @!p0 $0x1082;
	s9 =	sld [smem:$0x3FB7]  }
0x2f: {  	lr =	sadd.s32 s0, s3;
	s0 =	sld [smem:$0x3FAE]  }
0x30: {  	s3 =	sld [smem:$0x3FB1]  }
0x31: {  	[smem:$0x3FBA] =	sst s10  }
0x32: {  	s10 =	sld [smem:$0x3FB8];
	_ =	sdelay $0x3  }
0x33: {  	p0 =	seq.s32 s10, $0x1;
	s10 =	sld [smem:$0x3FBA];
	_ =	sdelay $0x3  }
0x34: {  	[smem:$0x3FBA] =	sst s10  }
0x35: {  	s10 =	sld [smem:$0x3FB9];
	_ =	sdelay $0x3  }
0x36: {  	p1 =	seq.s32 s10, $0x1;
	s10 =	sld [smem:$0x3FBA];
	_ =	sdelay $0x3  }
0x37: {  	[smem:$0x3FBA] =	sst s10  }
0x38: {  	s10 =	sld [smem:$0x3FBB]  }
0x39: {  	_ = 	snop;
	(pc) =	sbr.ind lr, $3  }
0x3a: {  	_ = 	snop  }
0x3b: {  	_ = 	snop  }
0x3c: {  	p2 =	seq.s32 s10, $0x1;
	s10 =	sld [smem:$0x3FBA]  }
0x3d: {  	_ =	shalt  }
0x3e: {  	_ =	shalt  }
0x3f: {  	_ =	shalt  }
0x40: {  	_ =	shalt  }
0x41: {  	_ =	shalt  }
0x42: {  	_ =	shalt  }
0x43: {  	_ =	shalt  }
0x44: {  	_ =	shalt  }
0x45: {  	_ =	shalt  }
0x46: {  	_ =	shalt  }
0x47: {  	_ =	shalt  }
0x48: {  	_ =	shalt  }
0x49: {  	_ =	shalt  }
0x4a: {  	_ =	shalt  }
0x4b: {  	_ =	shalt  }
0x4c: {  	_ =	shalt  }
0x4d: {  	_ =	shalt  }
0x4e: {  	_ =	shalt  }
0x4f: {  	_ =	shalt  }
0x50: {  	_ =	shalt  }
0x51: {  	_ =	shalt  }
0x52: {  	_ =	shalt  }
0x53: {  	_ =	shalt  }
0x54: {  	_ =	shalt  }
0x55: {  	_ =	shalt  }
0x56: {  	_ =	shalt  }
0x57: {  	_ =	shalt  }
0x58: {  	_ =	shalt  }
0x59: {  	_ =	shalt  }
0x5a: {  	_ =	shalt  }
0x5b: {  	_ =	shalt  }
0x5c: {  	_ =	shalt  }
0x5d: {  	_ =	shalt  }
0x5e: {  	_ =	shalt  }
0x5f: {  	_ =	shalt  }
0x60: {  	_ =	shalt  }
0x61: {  	_ =	shalt  }
0x62: {  	_ =	shalt  }
0x63: {  	_ =	shalt  }
0x64: {  	_ =	shalt  }
0x65: {  	_ =	shalt  }
0x66: {  	_ =	shalt  }
0x67: {  	_ =	shalt  }
0x68: {  	_ =	shalt  }
0x69: {  	_ =	shalt  }
0x6a: {  	_ =	shalt  }
0x6b: {  	_ =	shalt  }
0x6c: {  	_ =	shalt  }
0x6d: {  	_ =	shalt  }
0x6e: {  	_ =	shalt  }
0x6f: {  	_ =	shalt  }
0x70: {  	_ =	shalt  }
0x71: {  	_ =	shalt  }
0x72: {  	_ =	shalt  }
0x73: {  	_ =	shalt  }
0x74: {  	_ =	shalt  }
0x75: {  	_ =	shalt  }
0x76: {  	_ =	shalt  }
0x77: {  	_ =	shalt  }
0x78: {  	_ =	shalt  }
0x79: {  	_ =	shalt  }
0x7a: {  	_ =	shalt  }
0x7b: {  	_ =	shalt  }
0x7c: {  	_ =	shalt  }
0x7d: {  	_ =	shalt  }
0x7e: {  	_ =	shalt  }
0x7f: {  	_ =	shalt  }
0x80: {  	_ =	shalt  }
0x81: {  	_ =	shalt  }
0x82: {  	_ =	shalt  }
0x83: {  	_ =	shalt  }
0x84: {  	_ =	shalt  }
0x85: {  	_ =	shalt  }
0x86: {  	_ =	shalt  }
0x87: {  	_ =	shalt  }
.Lfunc_end0:
.L_simem_size_0:
called_computation.1_lowered:
.L_overlay_start_0:
0x88: {  	s2 =	sld [smem:$0x3FD9]  }
0x89: {  	s3 =	sld [smem:$0x3FFE];
	_ =	sdelay $0x1  }
0x8a: {  	s1 =	srdreg.scid  }
0x8b: {  	s0 =	sand.u32 $0x1, s1  }
0x8c: {  	s16 =	sshll.u32 s0, $0xA;
	s2 =	sadd.s32 s3, s2  }
0x8d: {  	s2 =	sadd.s32 s2, s16  }
0x8e: {  	[smem:$0x3FC6] =	sst s2  }
0x8f: {  	_ = 	snop  }
0x90: {  	(tm) =	ssettm $0x1  }
0x91: {  	s17 =	sld [smem:$0x3FFB];
	_ =	sdelay $0x3  }
0x92: {  	_ =	strace s17  }
0x93: {  	s2 =	sld [smem:$0x3FFC];
	_ =	sdelay $0x3  }
0x94: {  	_ =	strace s2  }
0x95: {  	s2 =	sld [smem:$0x3FFD];
	_ =	sdelay $0x3  }
0x96: {  	_ =	strace s2  }
0x97: {  	_ =	strace $0x8FFFFFFF  }
0x98: {  	s18 =	sld [smem:$0x3FDB];
	_ =	sdelay $0x1  }
0x99: {  	s19 =	simm.s32 $_scs_section_size  }
0x9a: {  	s4 =	simm.s32 $_size__tile_overlayer_lowered;
	s5 =	simm.s32 $_tile_overlayer_lowered  }
0x9b: {  	s22 =	simm.s32 $0x1BFF;
	s21 =	sshll.u32 s5, $0x1;
	s2 =	sadd.s32 s19, s18  }
0x9c: {  	s6 =	simm.s32 $0x0;
	s20 =	sshll.u32 s4, $0x1;
	s4 =	sadd.s32 s21, s2  }
0x9d: {  	[timem:s6], [sflag:s22] =	dma.local [hbm:s4], s20  }
0x9e: {  	_ =	swait.ge [sflag:s22], s20  }
0x9f: {  	s3 =	ssub.s32 $0x0, s20;
	[sflag:s22] =	ssyncset.done $0x0  }
0xa0: {  	[sflag:s22] =	ssyncadd.s32 s3;
	_ =	sdelay $0x1  }
0xa1: {  	s23 =	simm.s32 $0x1B8B  }
0xa2: {  	_ =	swait.ge [sflag:s23], $0x1  }
0xa3: {  	[sflag:s23] =	ssyncset.done $0x0  }
0xa4: {  	s25 =	simm.s32 $0x1B8E;
	s24 =	sld [smem:$0x3FFE];
	[sflag:s23] =	ssyncadd.s32 $0xFFFFFFFF  }
0xa5: {  	s26 =	simm.s32 $execute0_lowered;
	[smem:$0x3FD2] =	sst s25  }
0xa6: {  	s4 =	sshll.u32 s26, $0x1;
	_ =	strace $0x80000049;
	[dreg:$0x1] =	wrdreg $0xFFFFFFFF  }
0xa7: {  	s28 =	simm.s32 $_size_execute0_lowered;
	s2 =	sadd.s32 s2, s4;
	[dreg:$0x0] =	wrdreg $0x0  }
0xa8: {  	s4 =	sshll.u32 s28, $0x1;
	[dreg:$0x2] =	wrdreg s2  }
0xa9: {  	[dreg:$0x3] =	wrdreg s4  }
0xaa: {  	[dreg:$0x4] =	wrdreg $0xC0  }
0xab: {  	_ =	task [dreg:s6], $0x5FFFF  }
0xac: {  	[dreg:$0x1] =	wrdreg $0xFFFFFFFF  }
0xad: {  	[dreg:$0x0] =	wrdreg $0x60  }
0xae: {  	[dreg:$0x2] =	wrdreg s24  }
0xaf: {  	[dreg:$0x3] =	wrdreg $0x9  }
0xb0: {  	_ =	task.clear_ibuf [dreg:s6], $0x4FFFF;
	_ =	strace $0x90000049  }
0xb1: {  	s29 =	simm.s32 $0x9;
	_ =	strace $0x8000004B  }
0xb2: {  	_ =	swait.ge [sflag:s29], $0x1  }
0xb3: {  	[sflag:s29] =	ssyncadd.s32 $0xFFFFFFFF  }
0xb4: {  	_ =	strace $0x9000004B  }
0xb5: {  	_ =	sfence  }
0xb6: {  	s30 =	sld [smem:$0x0];
	_ =	sdelay $0x2  }
0xb7: {  	s31 =	sshll.u32 s1, $0xD;
	s1 =	sshrl.u32 s1, $0x2  }
0xb8: {  	s3 =	sand.u32 $0x4000, s31;
	s1 =	sadd.s32 s1, s30  }
0xb9: {  	s0 =	sor.u32 s3, s0;
	s1 =	sshll.u32 s1, $0x11  }
0xba: {  	s0 =	sor.u32 s1, s0  }
0xbb: {  	s0 =	sadd.s32 $0x8F2B, s0  }
0xbc: {  	[sflag:s0] =	ssyncadd.remote.s32 $0x1  }
0xbd: {  	_ =	sfence.sel $0xFFFF  }
0xbe: {  	[dreg:$0x0] =	wrdreg $0xFFFFFFFF;
	(pc) =	sbr.abs _section_cstart, $3  }
0xbf: {  	[dreg:$0x1] =	wrdreg $0xFFFFFFFF  }
0xc0: {  	_ =	task.clear_ibuf [dreg:s6], $0x2FFFF;
	_ =	strace $0x9FFFFFFF  }
0xc1: {  	(tm) =	ssettm $0x7FFFFFFF  }
tec
execute0_lowered:
.L_overlay_start_1:
0x0: {  	(tag) =	ssettag $0x1  }
0x1: {  	s1 =	stileid.u32  }
0x2: {  	p0 =	seq.s32 s1, $0xF  }
.Ltmp0:
0x3: {  	_ = 	snop;
	(pc) =	sbr.rel @p0 .LBB2_9-.Ltmp0, $4  }
0x4: {  	_ = 	snop  }
0x5: {  	s2 =	rddreg [dreg:$0x0];
	s3 =	simm.s32 $0x0  }
0x6: {  	[smem:$0x7FF] =	sst s3  }
0x7: {  	s0 =	rddreg [dreg:$0x1];
	_ =	strace $0x8000004A  }
0x8: {  	s4 =	srdreg.scid  }
0x9: {  	s5 =	sshll.u32 s1, $0x1;
	s4 =	sand.u32 $0x1, s4  }
0xa: {  	s5 =	sor.u32 s4, s5  }
0xb: {  	s6 =	smul.u32 $0x56, s5  }
0xc: {  	s8 =	sshrl.u32 s1, $0x2;
	s9 =	sadd.s32 $0x1EC000, s2;
	s11 =	simm.s32 $0x1  }
0xd: {  	s8 =	smul.u32 $0x78000, s8;
	s29 =	ssub.s32 $0x2, s4;
	s7 =	sshrl.u32 s6, $0x8  }
0xe: {  	s10 =	sshll.u32 s5, $0x7;
	s30 =	sshrl.u32 s29, $0x1;
	s7 =	smul.u32 $0x3, s7  }
0xf: {  	s12 =	simm.s32 $0x3000;
	s10 =	sand.u32 $0x380, s10;
	s31 =	ssub.s32 s29, s30  }
0x10: {  	s26 =	sshrl.u32 s6, $0xB;
	s8 =	sor.u32 s8, s10;
	s5 =	ssub.s32 s5, s7  }
0x11: {  	s6 =	sshrl.u32 s6, $0x1;
	s28 =	smul.u32 $0x7B0000, s26;
	s5 =	sand.u32 $0xFF, s5  }
0x12: {  	s6 =	sand.u32 $0x380, s6;
	s7 =	sshll.u32 s26, $0xF;
	s5 =	smul.u32 $0x290000, s5  }
0x13: {  	s10 =	simm.s32 $0x2000;
	s8 =	sshrl.u32 s8, $0x3;
	s7 =	sor.u32 s6, s7  }
0x14: {  	s8 =	sadd.s32 s8, s2;
	s7 =	sshrl.u32 s7, $0x3;
	s5 =	sadd.s32 s5, s28  }
0x15: {  	s4 =	sor.u32 s6, s5;
	s5 =	sadd.s32 $0x1EE000, s8;
	s6 =	sadd.s32 s9, s7  }
0x16: {  	v0 =	vimm.s32 $0x0;
	v1 =	vimm.s32 $0x1;
	s7 =	smax.u32 s31, $0x1;
	s8 =	simm.s32 $0x80;
	s9 =	simm.s32 $0x400  }
.LBB2_2:
0x17: {  	[tilespmem:s10], [sflag:$0x1] =	stream.strided.gather [hbm4b:s6+s8], $0x1000, s9, s8, $0x38;
	[tilespmem:$0x12000] =	vst v63  }
0x18: {  	_ =	swait.ge [sflag:s11], $0x1000  }
0x19: {  	s13 =	simm.s32 $0x0;
	[sflag:s11] =	ssyncset.done $0x0  }
0x1a: {  	s14 =	simm.s32 $0x40;
	s15 =	simm.s32 $0x0;
	[sflag:s11] =	ssyncadd.s32 $0xFFFFF000  }
.LBB2_3:
0x1b: {  	p0 =	sne.s32 s14, $0x3BFC0;
	[tilespmem:s15+$0x3000] =	vst v0;
	s15 =	smov.u32 s14;
	s14 =	sadd.s32 $0x40, s14  }
.Ltmp1:
0x1c: {  	(pc) =	sbr.rel @p0 .LBB2_3-.Ltmp1, $2  }
0x1d: {  	_ =	sdelay $0x2  }
0x1e: {  	s15 =	sshra.s32 s15, $0x2  }
0x1f: {  	[tilespmem:s15+$0x3000] =	vst v0  }
.LBB2_5:
0x20: {  	s14 =	sshll.u32 s13, $0x10  }
0x21: {  	s14 =	sadd.s32 s14, s4  }
0x22: {  	s14 =	sshrl.u32 s14, $0x3  }
0x23: {  	s15 =	sadd.s32 s2, s14;
	s14 =	simm.s32 $0x0  }
0x24: {  	[tilespmem:s14], [sflag:$0x1] =	stream.strided.gather [hbm4b:s15+s8], $0x2000, s9, s8, $0x38;
	[tilespmem:$0x12000] =	vst v63  }
0x25: {  	_ =	swait.ge [sflag:s11], $0x2000  }
0x26: {  	[sflag:s11] =	ssyncset.done $0x0  }
0x27: {  	[sflag:s11] =	ssyncadd.s32 $0xFFFFE000  }
.LBB2_6:
0x28: {  	s15 =	sshra.s32 s14, $0x2  }
0x29: {  	v2 =	vld [tilespmem:s15+$0x0];
	_ =	sdelay $0x4  }
0x2a: {  	v3 =	vshrl.u32 v2, $0x12  }
0x2b: {  	v3 =	vmin.u32 v3, $0xFFF;
	_ =	sdelay $0x4  }
0x2c: {  	v3 =	vld.idx.msk [tilespmem:v3+s10+$0x0], $0xffff;
	_ =	sdelay $0x3  }
0x2d: {  	v2 =	vshrl.u32 v2, $0x7  }
0x2e: {  	v2 =	vand.u32 $0x7FF, v2;
	v4 =	vshll.u32 v3, $0xB  }
0x2f: {  	vm0 =	vlt.s32 v3, $0x1E;
	v2 =	vor.u32 v2, v4  }
0x30: {  	p0 =	sne.s32 s14, $0x7FC0;
	v2 =	vnsel vm0, $0x0, v2  }
.Ltmp2:
0x31: {  	_ = 	snop;
	(pc) =	sbr.rel @p0 .LBB2_6-.Ltmp2, $2  }
0x32: {  	_ =	sdelay $0x2  }
0x33: {  	s14 =	sadd.s32 $0x40, s14;
	[tilespmem:v2+s12+$0x0] =	vst.idx.add.s32.msk vm0, v1  }
0x34: {  	s13 =	sadd.s32 $0x1, s13  }
0x35: {  	p0 =	sne.s32 s13, $0x29  }
.Ltmp3:
0x36: {  	_ = 	snop;
	(pc) =	sbr.rel @p0 .LBB2_5-.Ltmp3, $1  }
0x37: {  	_ =	sdelay $0x3  }
0x38: {  	s3 =	sadd.s32 $0x1, s3  }
0x39: {  	p0 =	sne.s32 s3, s7  }
.Ltmp4:
0x3a: {  	_ = 	snop;
	(pc) =	sbr.rel @p0 .LBB2_2-.Ltmp4, $4  }
0x3b: {  	[hbm4b:s5+s8] =	stream.strided.scatter [tilespmem:s12], [sflag:$0x1], $0xF000, s9, s8, $0x38;
	[tilespmem:$0x12000] =	vst v63  }
0x3c: {  	_ =	swait.ge [sflag:s11], $0xF000  }
0x3d: {  	[sflag:s11] =	ssyncset.done $0x0  }
0x3e: {  	[sflag:s11] =	ssyncadd.s32 $0xFFFF1000  }
.LBB2_9:
0x3f: {  	_ =	sfence.sel $0x180000  }
0x40: {  	[bflag:$0x0] =	sbarrier.arrive $0xFFFF  }
0x41: {  	p0 =	sne.s32 s1, $0x0;
	_ =	strace $0x9000004A  }
0x42: {  	s0 =	sadd.s32 @!p0 $0x100000, s0;
	[bflag:$0x2] =	sbarrier.arrive $0xFFFF  }
0x43: {  	[sflag:s0] =	ssyncadd.tile.s32 @!p0 $0x1;
	_ =	shalt  }
.Lfunc_end2:
_tile_overlayer_lowered:
.L_overlay_start_2:
0x44: {  	(tag) =	ssettag $0x2  }
0x45: {  	s0 =	rddreg [dreg:$0x0];
	s2 =	stileid.u32  }
0x46: {  	s1 =	rddreg [dreg:$0x1];
	p0 =	sne.s32 s2, $0x0  }
0x47: {  	s3 =	rddreg [dreg:$0x2];
	[bflag:$0x3] =	sbarrier.arrive $0xFFFF;
	s2 =	simm.s32 @!p0 $0x1C01  }
0x48: {  	[timem:s3], [sflag:s2] =	dma.local @!p0 [hbm:s0], s1  }
0x49: {  	s0 =	simm.s32 @!p0 $0x1  }
0x4a: {  	_ =	swait.ge @!p0 [sflag:s0], s1  }
0x4b: {  	s1 =	ssub.s32 @!p0 $0x0, s1;
	[sflag:s0] =	ssyncset.done @!p0 $0x0  }
0x4c: {  	[sflag:s0] =	ssyncadd.s32 @!p0 s1  }
0x4d: {  	[bflag:$0x3] =	sbarrier.arrive $0xFFFF  }
0x4e: {  	_ =	shalt  }

</sc_bundles>
